<compile_context>
chip_gen: v7x
topology: tpu7x:2x2x1
jax: 0.10.2.dev20260603
libtpu: 0.0.44.dev20260713+nightly
codegen_flags: <defaults>
</compile_context>

<pallas_src>
import jax
import jax.numpy as jnp
from jax import lax
from jax.experimental import pallas as pl
from jax.experimental.pallas import tpu as pltpu
from jax.experimental.pallas import tpu_sc as plsc

B = 16384
EMB = 128
NW = 32
CHUNK = 128
SPLIT = 2
BS = B // SPLIT
NCHUNK = BS // NW // CHUNK


def _sc_gather(slice_idx, uids2, iids2, Ug, Ig, Um, Im):
    mesh = plsc.VectorSubcoreMesh(core_axis_name="c", subcore_axis_name="s")
    bpw = NCHUNK * CHUNK
    slice_row0 = slice_idx * (BS // CHUNK)

    def body(u_hbm, i_hbm, ug_hbm, ig_hbm, um_hbm, im_hbm,
             out_ug, out_ig, out_um, out_im,
             uidx, iidx, buf0, buf1, sem0, sem1):
        wid = lax.axis_index("s") * 2 + lax.axis_index("c")
        idx_row0 = slice_row0 + wid * NCHUNK
        pltpu.sync_copy(u_hbm.at[pl.ds(idx_row0, NCHUNK)], uidx)
        pltpu.sync_copy(i_hbm.at[pl.ds(idx_row0, NCHUNK)], iidx)

        jobs = []
        for tbl, idx, out in ((ug_hbm, uidx, out_ug), (ig_hbm, iidx, out_ig),
                              (um_hbm, uidx, out_um), (im_hbm, iidx, out_im)):
            for c in range(NCHUNK):
                jobs.append((tbl, idx, c, out))
        bufs = (buf0, buf1)
        sems = (sem0, sem1)
        row0 = wid * bpw
        pending = None
        for j, (tbl, idx, c, out) in enumerate(jobs):
            cp = pltpu.async_copy(tbl.at[idx.at[c]], bufs[j % 2], sems[j % 2])
            if pending is not None:
                pj, pcp, pout, pc = pending
                pcp.wait()
                pltpu.sync_copy(bufs[pj % 2],
                                pout.at[pl.ds(row0 + pc * CHUNK, CHUNK)])
            pending = (j, cp, out, c)
        pj, pcp, pout, pc = pending
        pcp.wait()
        pltpu.sync_copy(bufs[pj % 2], pout.at[pl.ds(row0 + pc * CHUNK, CHUNK)])

    return pl.kernel(
        body,
        out_type=[jax.ShapeDtypeStruct((BS, EMB), jnp.float32)] * 4,
        mesh=mesh,
        scratch_types=[
            pltpu.VMEM((NCHUNK, CHUNK), jnp.int32),
            pltpu.VMEM((NCHUNK, CHUNK), jnp.int32),
            pltpu.VMEM((CHUNK, EMB), jnp.float32),
            pltpu.VMEM((CHUNK, EMB), jnp.float32),
            pltpu.SemaphoreType.DMA,
            pltpu.SemaphoreType.DMA,
        ],
    )(uids2, iids2, Ug, Ig, Um, Im)


def _mlp_body(prev_r, ug_r, ig_r, um_r, im_r, w1a_r, w1b_r, b1_r, w2_r, b2_r,
              w3_r, b3_r, wfa_r, wfb_r, bf_r, out_r):
    del prev_r
    f32 = jnp.float32
    h1 = (jnp.dot(um_r[...], w1a_r[...], preferred_element_type=f32)
          + jnp.dot(im_r[...], w1b_r[...], preferred_element_type=f32)
          + b1_r[...])
    h1 = jnp.maximum(h1, 0.0)
    h2 = jnp.maximum(
        jnp.dot(h1, w2_r[...], preferred_element_type=f32) + b2_r[...], 0.0)
    h3 = jnp.maximum(
        jnp.dot(h2, w3_r[...], preferred_element_type=f32) + b3_r[...], 0.0)
    z = (jnp.sum(ug_r[...] * ig_r[...] * wfa_r[...], axis=1)
         + jnp.sum(h3 * wfb_r[...], axis=1) + bf_r[0, 0])
    out_r[...] = 1.0 / (1.0 + jnp.exp(-z))


def _tc_mlp(slice_idx, prev, ug, ig, um, im, W1a, W1b, b1, W2, b2, W3, b3,
            wfa_row, wfb_row, bf):
    R = 1024
    grid = (BS // R,)
    base = slice_idx * (BS // R)
    row_spec = pl.BlockSpec((R, EMB), lambda i: (i, 0))
    out_spec = pl.BlockSpec((R,), lambda i: (base + i,))

    def fixed(shape):
        return pl.BlockSpec(shape, lambda i: tuple(0 for _ in shape))

    return pl.pallas_call(
        _mlp_body,
        grid=grid,
        in_specs=[
            out_spec,
            row_spec, row_spec, row_spec, row_spec,
            fixed((EMB, 256)), fixed((EMB, 256)), fixed((1, 256)),
            fixed((256, 128)), fixed((1, 128)),
            fixed((128, 64)), fixed((1, 64)),
            fixed((1, EMB)), fixed((1, 64)), fixed((1, 1)),
        ],
        out_specs=out_spec,
        out_shape=jax.ShapeDtypeStruct((B,), jnp.float32),
        input_output_aliases={0: 0},
    )(prev, ug, ig, um, im, W1a, W1b, b1, W2, b2, W3, b3, wfa_row, wfb_row,
      bf)


def kernel(user_ids, item_ids, Ug, Ig, Um, Im, W1, b1, W2, b2, W3, b3, Wf, bf):
    uids2 = user_ids.astype(jnp.int32).reshape(B // CHUNK, CHUNK)
    iids2 = item_ids.astype(jnp.int32).reshape(B // CHUNK, CHUNK)
    W1a, W1b = W1[:EMB], W1[EMB:]
    b1r, b2r, b3r = b1.reshape(1, -1), b2.reshape(1, -1), b3.reshape(1, -1)
    wfa_row = Wf[:EMB].reshape(1, EMB)
    wfb_row = Wf[EMB:].reshape(1, 64)
    bfr = bf.reshape(1, 1)

    out = jnp.zeros((B,), jnp.float32)
    for s in range(SPLIT):
        ug, ig, um, im = _sc_gather(s, uids2, iids2, Ug, Ig, Um, Im)
        out = _tc_mlp(s, out, ug, ig, um, im, W1a, W1b, b1r, W2, b2r, W3,
                      b3r, wfa_row, wfb_row, bfr)
    return out.reshape(B, 1)

# --- scband reference (transcript-rebuilt; emitter-appended) ---
"""Pipeline reference for scband-neu-mf-58772332478807 (READ-ONLY COPY).

The authoritative reference and input builder live on the scoring server;
editing this copy changes nothing except your own understanding.
"""

import jax, jax.numpy as jnp
import numpy as np

N_USERS = 100000
N_ITEMS = 100000
EMB = 128
BATCH = 16384
HIDDEN = [256, 128, 64]


def setup_inputs(seed: int = 0) -> dict:
    key = jax.random.key(seed)
    ks = jax.random.split(key, 16)
    user_ids = jax.random.randint(ks[0], (BATCH,), 0, N_USERS)
    item_ids = jax.random.randint(ks[1], (BATCH,), 0, N_ITEMS)
    Ug = jax.random.normal(ks[2], (N_USERS, EMB), dtype=jnp.float32) * 0.05
    Ig = jax.random.normal(ks[3], (N_ITEMS, EMB), dtype=jnp.float32) * 0.05
    Um = jax.random.normal(ks[4], (N_USERS, EMB), dtype=jnp.float32) * 0.05
    Im = jax.random.normal(ks[5], (N_ITEMS, EMB), dtype=jnp.float32) * 0.05
    W1 = jax.random.normal(ks[6], (EMB * 2, HIDDEN[0]), dtype=jnp.float32) * (1.0 / np.sqrt(EMB * 2))
    b1 = jnp.zeros((HIDDEN[0],), dtype=jnp.float32)
    W2 = jax.random.normal(ks[7], (HIDDEN[0], HIDDEN[1]), dtype=jnp.float32) * (1.0 / np.sqrt(HIDDEN[0]))
    b2 = jnp.zeros((HIDDEN[1],), dtype=jnp.float32)
    W3 = jax.random.normal(ks[8], (HIDDEN[1], HIDDEN[2]), dtype=jnp.float32) * (1.0 / np.sqrt(HIDDEN[1]))
    b3 = jnp.zeros((HIDDEN[2],), dtype=jnp.float32)
    Wf = jax.random.normal(ks[9], (EMB + HIDDEN[2], 1), dtype=jnp.float32) * (1.0 / np.sqrt(EMB + HIDDEN[2]))
    bf = jnp.zeros((1,), dtype=jnp.float32)
    return {"user_ids": user_ids, "item_ids": item_ids, "Ug": Ug, "Ig": Ig, "Um": Um, "Im": Im,
            "W1": W1, "b1": b1, "W2": W2, "b2": b2, "W3": W3, "b3": b3, "Wf": Wf, "bf": bf}


def reference(user_ids, item_ids, Ug, Ig, Um, Im, W1, b1, W2, b2, W3, b3, Wf, bf):
    # GMF branch: elementwise product of gathered embeddings
    user_emb_gmf = jnp.take(Ug, user_ids, axis=0)
    item_emb_gmf = jnp.take(Ig, item_ids, axis=0)
    gmf_output = user_emb_gmf * item_emb_gmf
    # MLP branch
    user_emb_mlp = jnp.take(Um, user_ids, axis=0)
    item_emb_mlp = jnp.take(Im, item_ids, axis=0)
    mlp = jnp.concatenate([user_emb_mlp, item_emb_mlp], axis=-1)
    mlp = jax.nn.relu(mlp @ W1 + b1)  # dropout inactive at inference
    mlp = jax.nn.relu(mlp @ W2 + b2)
    mlp = jax.nn.relu(mlp @ W3 + b3)
    combined = jnp.concatenate([gmf_output, mlp], axis=-1)
    out = jax.nn.sigmoid(combined @ Wf + bf)
    return out

if __name__ == "__main__":
    import jax
    _d = setup_inputs()
    print(jax.jit(kernel)(*tuple(_d.values())))

</pallas_src>

<mosaic_0001>
#map = affine_map<(d0, d1) -> (0, 0)>
module attributes {stable_mosaic.version = 14 : i64} {
  func.func @body(%arg0: i32, %arg1: i32, %arg2: memref<128x128xi32, #tpu.memory_space<hbm>>, %arg3: memref<128x128xi32, #tpu.memory_space<hbm>>, %arg4: memref<100000x128xf32, #tpu.memory_space<hbm>>, %arg5: memref<100000x128xf32, #tpu.memory_space<hbm>>, %arg6: memref<100000x128xf32, #tpu.memory_space<hbm>>, %arg7: memref<100000x128xf32, #tpu.memory_space<hbm>>, %arg8: memref<8192x128xf32, #tpu.memory_space<hbm>>, %arg9: memref<8192x128xf32, #tpu.memory_space<hbm>>, %arg10: memref<8192x128xf32, #tpu.memory_space<hbm>>, %arg11: memref<8192x128xf32, #tpu.memory_space<hbm>>, %arg12: memref<2x128xi32, #tpu.memory_space<vmem>>, %arg13: memref<2x128xi32, #tpu.memory_space<vmem>>, %arg14: memref<128x128xf32, #tpu.memory_space<vmem>>, %arg15: memref<128x128xf32, #tpu.memory_space<vmem>>, %arg16: memref<!tpu.dma_semaphore, #tpu.memory_space<semaphore_mem>>, %arg17: memref<!tpu.dma_semaphore, #tpu.memory_space<semaphore_mem>>) attributes {dimension_semantics = [#tpu.dimension_semantics<core_parallel>, #tpu.dimension_semantics<subcore_parallel>], iteration_bounds = array<i64: 2, 16>, scalar_prefetch = 0 : i64, scratch_operands = 6 : i64, tpu.core_type = #tpu.core_type<sc_vector_subcore>, window_params = [{transform_indices = #map}, {transform_indices = #map}, {transform_indices = #map}, {transform_indices = #map}, {transform_indices = #map}, {transform_indices = #map}, {transform_indices = #map}, {transform_indices = #map}, {transform_indices = #map}, {transform_indices = #map}]} {
    %mul3A = arith.constant 2 : i32
    %mul3A_0 = arith.muli %arg1, %mul3A : i32
    %add3A = arith.addi %mul3A_0, %arg0 : i32
    %mul3A_1 = arith.constant 2 : i32
    %mul3A_2 = arith.muli %add3A, %mul3A_1 : i32
    %add3A_3 = arith.constant 0 : i32
    %add3A_4 = arith.addi %add3A_3, %mul3A_2 : i32
    "tpu.region"() ({
      %run_scoped3A = tpu.sem_alloc : memref<!tpu.dma_semaphore, #tpu.memory_space<semaphore_mem>>
      %dma_start3A_133 = arith.constant 0 : i32
      %dma_start3A_134 = tpu.memref_slice %arg2[%add3A_4, %dma_start3A_133] : memref<128x128xi32, #tpu.memory_space<hbm>> -> memref<2x128xi32, #tpu.memory_space<hbm>>
      %dma_start3A_135 = arith.constant 0 : i32
      %dma_start3A_136 = tpu.memref_slice %arg2[%add3A_4, %dma_start3A_135] : memref<128x128xi32, #tpu.memory_space<hbm>> -> memref<2x128xi32, #tpu.memory_space<hbm>>
      tpu.enqueue_dma source(%dma_start3A_136 : memref<2x128xi32, #tpu.memory_space<hbm>>) target(%arg12 : memref<2x128xi32, #tpu.memory_space<vmem>>) target_semaphore(%run_scoped3A : memref<!tpu.dma_semaphore, #tpu.memory_space<semaphore_mem>>)
      %dma_wait3A_137 = arith.constant 0 : i32
      %dma_wait3A_138 = tpu.memref_slice %arg2[%add3A_4, %dma_wait3A_137] : memref<128x128xi32, #tpu.memory_space<hbm>> -> memref<2x128xi32, #tpu.memory_space<hbm>>
      %dma_wait3A_139 = arith.constant 0 : i32
      %dma_wait3A_140 = tpu.memref_slice %arg2[%add3A_4, %dma_wait3A_139] : memref<128x128xi32, #tpu.memory_space<hbm>> -> memref<2x128xi32, #tpu.memory_space<hbm>>
      tpu.wait_dma2 semaphore(%run_scoped3A : memref<!tpu.dma_semaphore, #tpu.memory_space<semaphore_mem>>) src(%dma_wait3A_140 : memref<2x128xi32, #tpu.memory_space<hbm>>) dst(%arg12 : memref<2x128xi32, #tpu.memory_space<vmem>>)
      tpu.yield
    }) : () -> ()
    "tpu.region"() ({
      %run_scoped3A = tpu.sem_alloc : memref<!tpu.dma_semaphore, #tpu.memory_space<semaphore_mem>>
      %dma_start3A_133 = arith.constant 0 : i32
      %dma_start3A_134 = tpu.memref_slice %arg3[%add3A_4, %dma_start3A_133] : memref<128x128xi32, #tpu.memory_space<hbm>> -> memref<2x128xi32, #tpu.memory_space<hbm>>
      %dma_start3A_135 = arith.constant 0 : i32
      %dma_start3A_136 = tpu.memref_slice %arg3[%add3A_4, %dma_start3A_135] : memref<128x128xi32, #tpu.memory_space<hbm>> -> memref<2x128xi32, #tpu.memory_space<hbm>>
      tpu.enqueue_dma source(%dma_start3A_136 : memref<2x128xi32, #tpu.memory_space<hbm>>) target(%arg13 : memref<2x128xi32, #tpu.memory_space<vmem>>) target_semaphore(%run_scoped3A : memref<!tpu.dma_semaphore, #tpu.memory_space<semaphore_mem>>)
      %dma_wait3A_137 = arith.constant 0 : i32
      %dma_wait3A_138 = tpu.memref_slice %arg3[%add3A_4, %dma_wait3A_137] : memref<128x128xi32, #tpu.memory_space<hbm>> -> memref<2x128xi32, #tpu.memory_space<hbm>>
      %dma_wait3A_139 = arith.constant 0 : i32
      %dma_wait3A_140 = tpu.memref_slice %arg3[%add3A_4, %dma_wait3A_139] : memref<128x128xi32, #tpu.memory_space<hbm>> -> memref<2x128xi32, #tpu.memory_space<hbm>>
      tpu.wait_dma2 semaphore(%run_scoped3A : memref<!tpu.dma_semaphore, #tpu.memory_space<semaphore_mem>>) src(%dma_wait3A_140 : memref<2x128xi32, #tpu.memory_space<hbm>>) dst(%arg13 : memref<2x128xi32, #tpu.memory_space<vmem>>)
      tpu.yield
    }) : () -> ()
    %mul3A_5 = arith.constant 256 : i32
    %mul3A_6 = arith.muli %add3A, %mul3A_5 : i32
    %dma_start3A = arith.constant 0 : i32
    %dma_start3A_7 = arith.constant 0 : i32
    %dma_start3A_8 = tpu.memref_slice %arg12[%dma_start3A, %dma_start3A_7] : memref<2x128xi32, #tpu.memory_space<vmem>> -> memref<1x128xi32, #tpu.memory_space<vmem>>
    %dma_start3A_9 = tpu.memref_squeeze %dma_start3A_8 : memref<1x128xi32, #tpu.memory_space<vmem>> -> memref<128xi32, #tpu.memory_space<vmem>>
    %dma_start3A_10 = arith.constant 0 : i32
    %dma_start3A_11 = arith.constant 0 : i32
    %dma_start3A_12 = tpu.memref_slice %arg4[%dma_start3A_10, %dma_start3A_11] : memref<100000x128xf32, #tpu.memory_space<hbm>> -> memref<100000x128xf32, #tpu.memory_space<hbm>>
    tpu.enqueue_indirect_dma source(%dma_start3A_12 : memref<100000x128xf32, #tpu.memory_space<hbm>>) target(%arg14 : memref<128x128xf32, #tpu.memory_space<vmem>>) offsets(%dma_start3A_9 : memref<128xi32, #tpu.memory_space<vmem>>) semaphore(%arg16 : memref<!tpu.dma_semaphore, #tpu.memory_space<semaphore_mem>>)
    %dma_start3A_13 = arith.constant 1 : i32
    %dma_start3A_14 = arith.constant 0 : i32
    %dma_start3A_15 = tpu.memref_slice %arg12[%dma_start3A_13, %dma_start3A_14] : memref<2x128xi32, #tpu.memory_space<vmem>> -> memref<1x128xi32, #tpu.memory_space<vmem>>
    %dma_start3A_16 = tpu.memref_squeeze %dma_start3A_15 : memref<1x128xi32, #tpu.memory_space<vmem>> -> memref<128xi32, #tpu.memory_space<vmem>>
    %dma_start3A_17 = arith.constant 0 : i32
    %dma_start3A_18 = arith.constant 0 : i32
    %dma_start3A_19 = tpu.memref_slice %arg4[%dma_start3A_17, %dma_start3A_18] : memref<100000x128xf32, #tpu.memory_space<hbm>> -> memref<100000x128xf32, #tpu.memory_space<hbm>>
    tpu.enqueue_indirect_dma source(%dma_start3A_19 : memref<100000x128xf32, #tpu.memory_space<hbm>>) target(%arg15 : memref<128x128xf32, #tpu.memory_space<vmem>>) offsets(%dma_start3A_16 : memref<128xi32, #tpu.memory_space<vmem>>) semaphore(%arg17 : memref<!tpu.dma_semaphore, #tpu.memory_space<semaphore_mem>>)
    %dma_wait3A = arith.constant 0 : i32
    %dma_wait3A_20 = arith.constant 0 : i32
    %dma_wait3A_21 = tpu.memref_slice %arg12[%dma_wait3A, %dma_wait3A_20] : memref<2x128xi32, #tpu.memory_space<vmem>> -> memref<1x128xi32, #tpu.memory_space<vmem>>
    %dma_wait3A_22 = tpu.memref_squeeze %dma_wait3A_21 : memref<1x128xi32, #tpu.memory_space<vmem>> -> memref<128xi32, #tpu.memory_space<vmem>>
    %dma_wait3A_23 = arith.constant 0 : i32
    %dma_wait3A_24 = arith.constant 0 : i32
    %dma_wait3A_25 = tpu.memref_slice %arg4[%dma_wait3A_23, %dma_wait3A_24] : memref<100000x128xf32, #tpu.memory_space<hbm>> -> memref<100000x128xf32, #tpu.memory_space<hbm>>
    tpu.wait_indirect_dma semaphore(%arg16 : memref<!tpu.dma_semaphore, #tpu.memory_space<semaphore_mem>>) src(%dma_wait3A_25 : memref<100000x128xf32, #tpu.memory_space<hbm>>) dst(%arg14 : memref<128x128xf32, #tpu.memory_space<vmem>>)
    %add3A_26 = arith.constant 0 : i32
    %add3A_27 = arith.addi %mul3A_6, %add3A_26 : i32
    "tpu.region"() ({
      %run_scoped3A = tpu.sem_alloc : memref<!tpu.dma_semaphore, #tpu.memory_space<semaphore_mem>>
      %dma_start3A_133 = arith.constant 0 : i32
      %dma_start3A_134 = tpu.memref_slice %arg8[%add3A_27, %dma_start3A_133] : memref<8192x128xf32, #tpu.memory_space<hbm>> -> memref<128x128xf32, #tpu.memory_space<hbm>>
      %dma_start3A_135 = arith.constant 0 : i32
      %dma_start3A_136 = tpu.memref_slice %arg8[%add3A_27, %dma_start3A_135] : memref<8192x128xf32, #tpu.memory_space<hbm>> -> memref<128x128xf32, #tpu.memory_space<hbm>>
      tpu.enqueue_dma source(%arg14 : memref<128x128xf32, #tpu.memory_space<vmem>>) target(%dma_start3A_136 : memref<128x128xf32, #tpu.memory_space<hbm>>) target_semaphore(%run_scoped3A : memref<!tpu.dma_semaphore, #tpu.memory_space<semaphore_mem>>)
      %dma_wait3A_137 = arith.constant 0 : i32
      %dma_wait3A_138 = tpu.memref_slice %arg8[%add3A_27, %dma_wait3A_137] : memref<8192x128xf32, #tpu.memory_space<hbm>> -> memref<128x128xf32, #tpu.memory_space<hbm>>
      %dma_wait3A_139 = arith.constant 0 : i32
      %dma_wait3A_140 = tpu.memref_slice %arg8[%add3A_27, %dma_wait3A_139] : memref<8192x128xf32, #tpu.memory_space<hbm>> -> memref<128x128xf32, #tpu.memory_space<hbm>>
      tpu.wait_dma2 semaphore(%run_scoped3A : memref<!tpu.dma_semaphore, #tpu.memory_space<semaphore_mem>>) src(%arg14 : memref<128x128xf32, #tpu.memory_space<vmem>>) dst(%dma_wait3A_140 : memref<128x128xf32, #tpu.memory_space<hbm>>)
      tpu.yield
    }) : () -> ()
    %dma_start3A_28 = arith.constant 0 : i32
    %dma_start3A_29 = arith.constant 0 : i32
    %dma_start3A_30 = tpu.memref_slice %arg13[%dma_start3A_28, %dma_start3A_29] : memref<2x128xi32, #tpu.memory_space<vmem>> -> memref<1x128xi32, #tpu.memory_space<vmem>>
    %dma_start3A_31 = tpu.memref_squeeze %dma_start3A_30 : memref<1x128xi32, #tpu.memory_space<vmem>> -> memref<128xi32, #tpu.memory_space<vmem>>
    %dma_start3A_32 = arith.constant 0 : i32
    %dma_start3A_33 = arith.constant 0 : i32
    %dma_start3A_34 = tpu.memref_slice %arg5[%dma_start3A_32, %dma_start3A_33] : memref<100000x128xf32, #tpu.memory_space<hbm>> -> memref<100000x128xf32, #tpu.memory_space<hbm>>
    tpu.enqueue_indirect_dma source(%dma_start3A_34 : memref<100000x128xf32, #tpu.memory_space<hbm>>) target(%arg14 : memref<128x128xf32, #tpu.memory_space<vmem>>) offsets(%dma_start3A_31 : memref<128xi32, #tpu.memory_space<vmem>>) semaphore(%arg16 : memref<!tpu.dma_semaphore, #tpu.memory_space<semaphore_mem>>)
    %dma_wait3A_35 = arith.constant 1 : i32
    %dma_wait3A_36 = arith.constant 0 : i32
    %dma_wait3A_37 = tpu.memref_slice %arg12[%dma_wait3A_35, %dma_wait3A_36] : memref<2x128xi32, #tpu.memory_space<vmem>> -> memref<1x128xi32, #tpu.memory_space<vmem>>
    %dma_wait3A_38 = tpu.memref_squeeze %dma_wait3A_37 : memref<1x128xi32, #tpu.memory_space<vmem>> -> memref<128xi32, #tpu.memory_space<vmem>>
    %dma_wait3A_39 = arith.constant 0 : i32
    %dma_wait3A_40 = arith.constant 0 : i32
    %dma_wait3A_41 = tpu.memref_slice %arg4[%dma_wait3A_39, %dma_wait3A_40] : memref<100000x128xf32, #tpu.memory_space<hbm>> -> memref<100000x128xf32, #tpu.memory_space<hbm>>
    tpu.wait_indirect_dma semaphore(%arg17 : memref<!tpu.dma_semaphore, #tpu.memory_space<semaphore_mem>>) src(%dma_wait3A_41 : memref<100000x128xf32, #tpu.memory_space<hbm>>) dst(%arg15 : memref<128x128xf32, #tpu.memory_space<vmem>>)
    %add3A_42 = arith.constant 128 : i32
    %add3A_43 = arith.addi %mul3A_6, %add3A_42 : i32
    "tpu.region"() ({
      %run_scoped3A = tpu.sem_alloc : memref<!tpu.dma_semaphore, #tpu.memory_space<semaphore_mem>>
      %dma_start3A_133 = arith.constant 0 : i32
      %dma_start3A_134 = tpu.memref_slice %arg8[%add3A_43, %dma_start3A_133] : memref<8192x128xf32, #tpu.memory_space<hbm>> -> memref<128x128xf32, #tpu.memory_space<hbm>>
      %dma_start3A_135 = arith.constant 0 : i32
      %dma_start3A_136 = tpu.memref_slice %arg8[%add3A_43, %dma_start3A_135] : memref<8192x128xf32, #tpu.memory_space<hbm>> -> memref<128x128xf32, #tpu.memory_space<hbm>>
      tpu.enqueue_dma source(%arg15 : memref<128x128xf32, #tpu.memory_space<vmem>>) target(%dma_start3A_136 : memref<128x128xf32, #tpu.memory_space<hbm>>) target_semaphore(%run_scoped3A : memref<!tpu.dma_semaphore, #tpu.memory_space<semaphore_mem>>)
      %dma_wait3A_137 = arith.constant 0 : i32
      %dma_wait3A_138 = tpu.memref_slice %arg8[%add3A_43, %dma_wait3A_137] : memref<8192x128xf32, #tpu.memory_space<hbm>> -> memref<128x128xf32, #tpu.memory_space<hbm>>
      %dma_wait3A_139 = arith.constant 0 : i32
      %dma_wait3A_140 = tpu.memref_slice %arg8[%add3A_43, %dma_wait3A_139] : memref<8192x128xf32, #tpu.memory_space<hbm>> -> memref<128x128xf32, #tpu.memory_space<hbm>>
      tpu.wait_dma2 semaphore(%run_scoped3A : memref<!tpu.dma_semaphore, #tpu.memory_space<semaphore_mem>>) src(%arg15 : memref<128x128xf32, #tpu.memory_space<vmem>>) dst(%dma_wait3A_140 : memref<128x128xf32, #tpu.memory_space<hbm>>)
      tpu.yield
    }) : () -> ()
    %dma_start3A_44 = arith.constant 1 : i32
    %dma_start3A_45 = arith.constant 0 : i32
    %dma_start3A_46 = tpu.memref_slice %arg13[%dma_start3A_44, %dma_start3A_45] : memref<2x128xi32, #tpu.memory_space<vmem>> -> memref<1x128xi32, #tpu.memory_space<vmem>>
    %dma_start3A_47 = tpu.memref_squeeze %dma_start3A_46 : memref<1x128xi32, #tpu.memory_space<vmem>> -> memref<128xi32, #tpu.memory_space<vmem>>
    %dma_start3A_48 = arith.constant 0 : i32
    %dma_start3A_49 = arith.constant 0 : i32
    %dma_start3A_50 = tpu.memref_slice %arg5[%dma_start3A_48, %dma_start3A_49] : memref<100000x128xf32, #tpu.memory_space<hbm>> -> memref<100000x128xf32, #tpu.memory_space<hbm>>
    tpu.enqueue_indirect_dma source(%dma_start3A_50 : memref<100000x128xf32, #tpu.memory_space<hbm>>) target(%arg15 : memref<128x128xf32, #tpu.memory_space<vmem>>) offsets(%dma_start3A_47 : memref<128xi32, #tpu.memory_space<vmem>>) semaphore(%arg17 : memref<!tpu.dma_semaphore, #tpu.memory_space<semaphore_mem>>)
    %dma_wait3A_51 = arith.constant 0 : i32
    %dma_wait3A_52 = arith.constant 0 : i32
    %dma_wait3A_53 = tpu.memref_slice %arg13[%dma_wait3A_51, %dma_wait3A_52] : memref<2x128xi32, #tpu.memory_space<vmem>> -> memref<1x128xi32, #tpu.memory_space<vmem>>
    %dma_wait3A_54 = tpu.memref_squeeze %dma_wait3A_53 : memref<1x128xi32, #tpu.memory_space<vmem>> -> memref<128xi32, #tpu.memory_space<vmem>>
    %dma_wait3A_55 = arith.constant 0 : i32
    %dma_wait3A_56 = arith.constant 0 : i32
    %dma_wait3A_57 = tpu.memref_slice %arg5[%dma_wait3A_55, %dma_wait3A_56] : memref<100000x128xf32, #tpu.memory_space<hbm>> -> memref<100000x128xf32, #tpu.memory_space<hbm>>
    tpu.wait_indirect_dma semaphore(%arg16 : memref<!tpu.dma_semaphore, #tpu.memory_space<semaphore_mem>>) src(%dma_wait3A_57 : memref<100000x128xf32, #tpu.memory_space<hbm>>) dst(%arg14 : memref<128x128xf32, #tpu.memory_space<vmem>>)
    %add3A_58 = arith.constant 0 : i32
    %add3A_59 = arith.addi %mul3A_6, %add3A_58 : i32
    "tpu.region"() ({
      %run_scoped3A = tpu.sem_alloc : memref<!tpu.dma_semaphore, #tpu.memory_space<semaphore_mem>>
      %dma_start3A_133 = arith.constant 0 : i32
      %dma_start3A_134 = tpu.memref_slice %arg9[%add3A_59, %dma_start3A_133] : memref<8192x128xf32, #tpu.memory_space<hbm>> -> memref<128x128xf32, #tpu.memory_space<hbm>>
      %dma_start3A_135 = arith.constant 0 : i32
      %dma_start3A_136 = tpu.memref_slice %arg9[%add3A_59, %dma_start3A_135] : memref<8192x128xf32, #tpu.memory_space<hbm>> -> memref<128x128xf32, #tpu.memory_space<hbm>>
      tpu.enqueue_dma source(%arg14 : memref<128x128xf32, #tpu.memory_space<vmem>>) target(%dma_start3A_136 : memref<128x128xf32, #tpu.memory_space<hbm>>) target_semaphore(%run_scoped3A : memref<!tpu.dma_semaphore, #tpu.memory_space<semaphore_mem>>)
      %dma_wait3A_137 = arith.constant 0 : i32
      %dma_wait3A_138 = tpu.memref_slice %arg9[%add3A_59, %dma_wait3A_137] : memref<8192x128xf32, #tpu.memory_space<hbm>> -> memref<128x128xf32, #tpu.memory_space<hbm>>
      %dma_wait3A_139 = arith.constant 0 : i32
      %dma_wait3A_140 = tpu.memref_slice %arg9[%add3A_59, %dma_wait3A_139] : memref<8192x128xf32, #tpu.memory_space<hbm>> -> memref<128x128xf32, #tpu.memory_space<hbm>>
      tpu.wait_dma2 semaphore(%run_scoped3A : memref<!tpu.dma_semaphore, #tpu.memory_space<semaphore_mem>>) src(%arg14 : memref<128x128xf32, #tpu.memory_space<vmem>>) dst(%dma_wait3A_140 : memref<128x128xf32, #tpu.memory_space<hbm>>)
      tpu.yield
    }) : () -> ()
    %dma_start3A_60 = arith.constant 0 : i32
    %dma_start3A_61 = arith.constant 0 : i32
    %dma_start3A_62 = tpu.memref_slice %arg12[%dma_start3A_60, %dma_start3A_61] : memref<2x128xi32, #tpu.memory_space<vmem>> -> memref<1x128xi32, #tpu.memory_space<vmem>>
    %dma_start3A_63 = tpu.memref_squeeze %dma_start3A_62 : memref<1x128xi32, #tpu.memory_space<vmem>> -> memref<128xi32, #tpu.memory_space<vmem>>
    %dma_start3A_64 = arith.constant 0 : i32
    %dma_start3A_65 = arith.constant 0 : i32
    %dma_start3A_66 = tpu.memref_slice %arg6[%dma_start3A_64, %dma_start3A_65] : memref<100000x128xf32, #tpu.memory_space<hbm>> -> memref<100000x128xf32, #tpu.memory_space<hbm>>
    tpu.enqueue_indirect_dma source(%dma_start3A_66 : memref<100000x128xf32, #tpu.memory_space<hbm>>) target(%arg14 : memref<128x128xf32, #tpu.memory_space<vmem>>) offsets(%dma_start3A_63 : memref<128xi32, #tpu.memory_space<vmem>>) semaphore(%arg16 : memref<!tpu.dma_semaphore, #tpu.memory_space<semaphore_mem>>)
    %dma_wait3A_67 = arith.constant 1 : i32
    %dma_wait3A_68 = arith.constant 0 : i32
    %dma_wait3A_69 = tpu.memref_slice %arg13[%dma_wait3A_67, %dma_wait3A_68] : memref<2x128xi32, #tpu.memory_space<vmem>> -> memref<1x128xi32, #tpu.memory_space<vmem>>
    %dma_wait3A_70 = tpu.memref_squeeze %dma_wait3A_69 : memref<1x128xi32, #tpu.memory_space<vmem>> -> memref<128xi32, #tpu.memory_space<vmem>>
    %dma_wait3A_71 = arith.constant 0 : i32
    %dma_wait3A_72 = arith.constant 0 : i32
    %dma_wait3A_73 = tpu.memref_slice %arg5[%dma_wait3A_71, %dma_wait3A_72] : memref<100000x128xf32, #tpu.memory_space<hbm>> -> memref<100000x128xf32, #tpu.memory_space<hbm>>
    tpu.wait_indirect_dma semaphore(%arg17 : memref<!tpu.dma_semaphore, #tpu.memory_space<semaphore_mem>>) src(%dma_wait3A_73 : memref<100000x128xf32, #tpu.memory_space<hbm>>) dst(%arg15 : memref<128x128xf32, #tpu.memory_space<vmem>>)
    %add3A_74 = arith.constant 128 : i32
    %add3A_75 = arith.addi %mul3A_6, %add3A_74 : i32
    "tpu.region"() ({
      %run_scoped3A = tpu.sem_alloc : memref<!tpu.dma_semaphore, #tpu.memory_space<semaphore_mem>>
      %dma_start3A_133 = arith.constant 0 : i32
      %dma_start3A_134 = tpu.memref_slice %arg9[%add3A_75, %dma_start3A_133] : memref<8192x128xf32, #tpu.memory_space<hbm>> -> memref<128x128xf32, #tpu.memory_space<hbm>>
      %dma_start3A_135 = arith.constant 0 : i32
      %dma_start3A_136 = tpu.memref_slice %arg9[%add3A_75, %dma_start3A_135] : memref<8192x128xf32, #tpu.memory_space<hbm>> -> memref<128x128xf32, #tpu.memory_space<hbm>>
      tpu.enqueue_dma source(%arg15 : memref<128x128xf32, #tpu.memory_space<vmem>>) target(%dma_start3A_136 : memref<128x128xf32, #tpu.memory_space<hbm>>) target_semaphore(%run_scoped3A : memref<!tpu.dma_semaphore, #tpu.memory_space<semaphore_mem>>)
      %dma_wait3A_137 = arith.constant 0 : i32
      %dma_wait3A_138 = tpu.memref_slice %arg9[%add3A_75, %dma_wait3A_137] : memref<8192x128xf32, #tpu.memory_space<hbm>> -> memref<128x128xf32, #tpu.memory_space<hbm>>
      %dma_wait3A_139 = arith.constant 0 : i32
      %dma_wait3A_140 = tpu.memref_slice %arg9[%add3A_75, %dma_wait3A_139] : memref<8192x128xf32, #tpu.memory_space<hbm>> -> memref<128x128xf32, #tpu.memory_space<hbm>>
      tpu.wait_dma2 semaphore(%run_scoped3A : memref<!tpu.dma_semaphore, #tpu.memory_space<semaphore_mem>>) src(%arg15 : memref<128x128xf32, #tpu.memory_space<vmem>>) dst(%dma_wait3A_140 : memref<128x128xf32, #tpu.memory_space<hbm>>)
      tpu.yield
    }) : () -> ()
    %dma_start3A_76 = arith.constant 1 : i32
    %dma_start3A_77 = arith.constant 0 : i32
    %dma_start3A_78 = tpu.memref_slice %arg12[%dma_start3A_76, %dma_start3A_77] : memref<2x128xi32, #tpu.memory_space<vmem>> -> memref<1x128xi32, #tpu.memory_space<vmem>>
    %dma_start3A_79 = tpu.memref_squeeze %dma_start3A_78 : memref<1x128xi32, #tpu.memory_space<vmem>> -> memref<128xi32, #tpu.memory_space<vmem>>
    %dma_start3A_80 = arith.constant 0 : i32
    %dma_start3A_81 = arith.constant 0 : i32
    %dma_start3A_82 = tpu.memref_slice %arg6[%dma_start3A_80, %dma_start3A_81] : memref<100000x128xf32, #tpu.memory_space<hbm>> -> memref<100000x128xf32, #tpu.memory_space<hbm>>
    tpu.enqueue_indirect_dma source(%dma_start3A_82 : memref<100000x128xf32, #tpu.memory_space<hbm>>) target(%arg15 : memref<128x128xf32, #tpu.memory_space<vmem>>) offsets(%dma_start3A_79 : memref<128xi32, #tpu.memory_space<vmem>>) semaphore(%arg17 : memref<!tpu.dma_semaphore, #tpu.memory_space<semaphore_mem>>)
    %dma_wait3A_83 = arith.constant 0 : i32
    %dma_wait3A_84 = arith.constant 0 : i32
    %dma_wait3A_85 = tpu.memref_slice %arg12[%dma_wait3A_83, %dma_wait3A_84] : memref<2x128xi32, #tpu.memory_space<vmem>> -> memref<1x128xi32, #tpu.memory_space<vmem>>
    %dma_wait3A_86 = tpu.memref_squeeze %dma_wait3A_85 : memref<1x128xi32, #tpu.memory_space<vmem>> -> memref<128xi32, #tpu.memory_space<vmem>>
    %dma_wait3A_87 = arith.constant 0 : i32
    %dma_wait3A_88 = arith.constant 0 : i32
    %dma_wait3A_89 = tpu.memref_slice %arg6[%dma_wait3A_87, %dma_wait3A_88] : memref<100000x128xf32, #tpu.memory_space<hbm>> -> memref<100000x128xf32, #tpu.memory_space<hbm>>
    tpu.wait_indirect_dma semaphore(%arg16 : memref<!tpu.dma_semaphore, #tpu.memory_space<semaphore_mem>>) src(%dma_wait3A_89 : memref<100000x128xf32, #tpu.memory_space<hbm>>) dst(%arg14 : memref<128x128xf32, #tpu.memory_space<vmem>>)
    %add3A_90 = arith.constant 0 : i32
    %add3A_91 = arith.addi %mul3A_6, %add3A_90 : i32
    "tpu.region"() ({
      %run_scoped3A = tpu.sem_alloc : memref<!tpu.dma_semaphore, #tpu.memory_space<semaphore_mem>>
      %dma_start3A_133 = arith.constant 0 : i32
      %dma_start3A_134 = tpu.memref_slice %arg10[%add3A_91, %dma_start3A_133] : memref<8192x128xf32, #tpu.memory_space<hbm>> -> memref<128x128xf32, #tpu.memory_space<hbm>>
      %dma_start3A_135 = arith.constant 0 : i32
      %dma_start3A_136 = tpu.memref_slice %arg10[%add3A_91, %dma_start3A_135] : memref<8192x128xf32, #tpu.memory_space<hbm>> -> memref<128x128xf32, #tpu.memory_space<hbm>>
      tpu.enqueue_dma source(%arg14 : memref<128x128xf32, #tpu.memory_space<vmem>>) target(%dma_start3A_136 : memref<128x128xf32, #tpu.memory_space<hbm>>) target_semaphore(%run_scoped3A : memref<!tpu.dma_semaphore, #tpu.memory_space<semaphore_mem>>)
      %dma_wait3A_137 = arith.constant 0 : i32
      %dma_wait3A_138 = tpu.memref_slice %arg10[%add3A_91, %dma_wait3A_137] : memref<8192x128xf32, #tpu.memory_space<hbm>> -> memref<128x128xf32, #tpu.memory_space<hbm>>
      %dma_wait3A_139 = arith.constant 0 : i32
      %dma_wait3A_140 = tpu.memref_slice %arg10[%add3A_91, %dma_wait3A_139] : memref<8192x128xf32, #tpu.memory_space<hbm>> -> memref<128x128xf32, #tpu.memory_space<hbm>>
      tpu.wait_dma2 semaphore(%run_scoped3A : memref<!tpu.dma_semaphore, #tpu.memory_space<semaphore_mem>>) src(%arg14 : memref<128x128xf32, #tpu.memory_space<vmem>>) dst(%dma_wait3A_140 : memref<128x128xf32, #tpu.memory_space<hbm>>)
      tpu.yield
    }) : () -> ()
    %dma_start3A_92 = arith.constant 0 : i32
    %dma_start3A_93 = arith.constant 0 : i32
    %dma_start3A_94 = tpu.memref_slice %arg13[%dma_start3A_92, %dma_start3A_93] : memref<2x128xi32, #tpu.memory_space<vmem>> -> memref<1x128xi32, #tpu.memory_space<vmem>>
    %dma_start3A_95 = tpu.memref_squeeze %dma_start3A_94 : memref<1x128xi32, #tpu.memory_space<vmem>> -> memref<128xi32, #tpu.memory_space<vmem>>
    %dma_start3A_96 = arith.constant 0 : i32
    %dma_start3A_97 = arith.constant 0 : i32
    %dma_start3A_98 = tpu.memref_slice %arg7[%dma_start3A_96, %dma_start3A_97] : memref<100000x128xf32, #tpu.memory_space<hbm>> -> memref<100000x128xf32, #tpu.memory_space<hbm>>
    tpu.enqueue_indirect_dma source(%dma_start3A_98 : memref<100000x128xf32, #tpu.memory_space<hbm>>) target(%arg14 : memref<128x128xf32, #tpu.memory_space<vmem>>) offsets(%dma_start3A_95 : memref<128xi32, #tpu.memory_space<vmem>>) semaphore(%arg16 : memref<!tpu.dma_semaphore, #tpu.memory_space<semaphore_mem>>)
    %dma_wait3A_99 = arith.constant 1 : i32
    %dma_wait3A_100 = arith.constant 0 : i32
    %dma_wait3A_101 = tpu.memref_slice %arg12[%dma_wait3A_99, %dma_wait3A_100] : memref<2x128xi32, #tpu.memory_space<vmem>> -> memref<1x128xi32, #tpu.memory_space<vmem>>
    %dma_wait3A_102 = tpu.memref_squeeze %dma_wait3A_101 : memref<1x128xi32, #tpu.memory_space<vmem>> -> memref<128xi32, #tpu.memory_space<vmem>>
    %dma_wait3A_103 = arith.constant 0 : i32
    %dma_wait3A_104 = arith.constant 0 : i32
    %dma_wait3A_105 = tpu.memref_slice %arg6[%dma_wait3A_103, %dma_wait3A_104] : memref<100000x128xf32, #tpu.memory_space<hbm>> -> memref<100000x128xf32, #tpu.memory_space<hbm>>
    tpu.wait_indirect_dma semaphore(%arg17 : memref<!tpu.dma_semaphore, #tpu.memory_space<semaphore_mem>>) src(%dma_wait3A_105 : memref<100000x128xf32, #tpu.memory_space<hbm>>) dst(%arg15 : memref<128x128xf32, #tpu.memory_space<vmem>>)
    %add3A_106 = arith.constant 128 : i32
    %add3A_107 = arith.addi %mul3A_6, %add3A_106 : i32
    "tpu.region"() ({
      %run_scoped3A = tpu.sem_alloc : memref<!tpu.dma_semaphore, #tpu.memory_space<semaphore_mem>>
      %dma_start3A_133 = arith.constant 0 : i32
      %dma_start3A_134 = tpu.memref_slice %arg10[%add3A_107, %dma_start3A_133] : memref<8192x128xf32, #tpu.memory_space<hbm>> -> memref<128x128xf32, #tpu.memory_space<hbm>>
      %dma_start3A_135 = arith.constant 0 : i32
      %dma_start3A_136 = tpu.memref_slice %arg10[%add3A_107, %dma_start3A_135] : memref<8192x128xf32, #tpu.memory_space<hbm>> -> memref<128x128xf32, #tpu.memory_space<hbm>>
      tpu.enqueue_dma source(%arg15 : memref<128x128xf32, #tpu.memory_space<vmem>>) target(%dma_start3A_136 : memref<128x128xf32, #tpu.memory_space<hbm>>) target_semaphore(%run_scoped3A : memref<!tpu.dma_semaphore, #tpu.memory_space<semaphore_mem>>)
      %dma_wait3A_137 = arith.constant 0 : i32
      %dma_wait3A_138 = tpu.memref_slice %arg10[%add3A_107, %dma_wait3A_137] : memref<8192x128xf32, #tpu.memory_space<hbm>> -> memref<128x128xf32, #tpu.memory_space<hbm>>
      %dma_wait3A_139 = arith.constant 0 : i32
      %dma_wait3A_140 = tpu.memref_slice %arg10[%add3A_107, %dma_wait3A_139] : memref<8192x128xf32, #tpu.memory_space<hbm>> -> memref<128x128xf32, #tpu.memory_space<hbm>>
      tpu.wait_dma2 semaphore(%run_scoped3A : memref<!tpu.dma_semaphore, #tpu.memory_space<semaphore_mem>>) src(%arg15 : memref<128x128xf32, #tpu.memory_space<vmem>>) dst(%dma_wait3A_140 : memref<128x128xf32, #tpu.memory_space<hbm>>)
      tpu.yield
    }) : () -> ()
    %dma_start3A_108 = arith.constant 1 : i32
    %dma_start3A_109 = arith.constant 0 : i32
    %dma_start3A_110 = tpu.memref_slice %arg13[%dma_start3A_108, %dma_start3A_109] : memref<2x128xi32, #tpu.memory_space<vmem>> -> memref<1x128xi32, #tpu.memory_space<vmem>>
    %dma_start3A_111 = tpu.memref_squeeze %dma_start3A_110 : memref<1x128xi32, #tpu.memory_space<vmem>> -> memref<128xi32, #tpu.memory_space<vmem>>
    %dma_start3A_112 = arith.constant 0 : i32
    %dma_start3A_113 = arith.constant 0 : i32
    %dma_start3A_114 = tpu.memref_slice %arg7[%dma_start3A_112, %dma_start3A_113] : memref<100000x128xf32, #tpu.memory_space<hbm>> -> memref<100000x128xf32, #tpu.memory_space<hbm>>
    tpu.enqueue_indirect_dma source(%dma_start3A_114 : memref<100000x128xf32, #tpu.memory_space<hbm>>) target(%arg15 : memref<128x128xf32, #tpu.memory_space<vmem>>) offsets(%dma_start3A_111 : memref<128xi32, #tpu.memory_space<vmem>>) semaphore(%arg17 : memref<!tpu.dma_semaphore, #tpu.memory_space<semaphore_mem>>)
    %dma_wait3A_115 = arith.constant 0 : i32
    %dma_wait3A_116 = arith.constant 0 : i32
    %dma_wait3A_117 = tpu.memref_slice %arg13[%dma_wait3A_115, %dma_wait3A_116] : memref<2x128xi32, #tpu.memory_space<vmem>> -> memref<1x128xi32, #tpu.memory_space<vmem>>
    %dma_wait3A_118 = tpu.memref_squeeze %dma_wait3A_117 : memref<1x128xi32, #tpu.memory_space<vmem>> -> memref<128xi32, #tpu.memory_space<vmem>>
    %dma_wait3A_119 = arith.constant 0 : i32
    %dma_wait3A_120 = arith.constant 0 : i32
    %dma_wait3A_121 = tpu.memref_slice %arg7[%dma_wait3A_119, %dma_wait3A_120] : memref<100000x128xf32, #tpu.memory_space<hbm>> -> memref<100000x128xf32, #tpu.memory_space<hbm>>
    tpu.wait_indirect_dma semaphore(%arg16 : memref<!tpu.dma_semaphore, #tpu.memory_space<semaphore_mem>>) src(%dma_wait3A_121 : memref<100000x128xf32, #tpu.memory_space<hbm>>) dst(%arg14 : memref<128x128xf32, #tpu.memory_space<vmem>>)
    %add3A_122 = arith.constant 0 : i32
    %add3A_123 = arith.addi %mul3A_6, %add3A_122 : i32
    "tpu.region"() ({
      %run_scoped3A = tpu.sem_alloc : memref<!tpu.dma_semaphore, #tpu.memory_space<semaphore_mem>>
      %dma_start3A_133 = arith.constant 0 : i32
      %dma_start3A_134 = tpu.memref_slice %arg11[%add3A_123, %dma_start3A_133] : memref<8192x128xf32, #tpu.memory_space<hbm>> -> memref<128x128xf32, #tpu.memory_space<hbm>>
      %dma_start3A_135 = arith.constant 0 : i32
      %dma_start3A_136 = tpu.memref_slice %arg11[%add3A_123, %dma_start3A_135] : memref<8192x128xf32, #tpu.memory_space<hbm>> -> memref<128x128xf32, #tpu.memory_space<hbm>>
      tpu.enqueue_dma source(%arg14 : memref<128x128xf32, #tpu.memory_space<vmem>>) target(%dma_start3A_136 : memref<128x128xf32, #tpu.memory_space<hbm>>) target_semaphore(%run_scoped3A : memref<!tpu.dma_semaphore, #tpu.memory_space<semaphore_mem>>)
      %dma_wait3A_137 = arith.constant 0 : i32
      %dma_wait3A_138 = tpu.memref_slice %arg11[%add3A_123, %dma_wait3A_137] : memref<8192x128xf32, #tpu.memory_space<hbm>> -> memref<128x128xf32, #tpu.memory_space<hbm>>
      %dma_wait3A_139 = arith.constant 0 : i32
      %dma_wait3A_140 = tpu.memref_slice %arg11[%add3A_123, %dma_wait3A_139] : memref<8192x128xf32, #tpu.memory_space<hbm>> -> memref<128x128xf32, #tpu.memory_space<hbm>>
      tpu.wait_dma2 semaphore(%run_scoped3A : memref<!tpu.dma_semaphore, #tpu.memory_space<semaphore_mem>>) src(%arg14 : memref<128x128xf32, #tpu.memory_space<vmem>>) dst(%dma_wait3A_140 : memref<128x128xf32, #tpu.memory_space<hbm>>)
      tpu.yield
    }) : () -> ()
    %dma_wait3A_124 = arith.constant 1 : i32
    %dma_wait3A_125 = arith.constant 0 : i32
    %dma_wait3A_126 = tpu.memref_slice %arg13[%dma_wait3A_124, %dma_wait3A_125] : memref<2x128xi32, #tpu.memory_space<vmem>> -> memref<1x128xi32, #tpu.memory_space<vmem>>
    %dma_wait3A_127 = tpu.memref_squeeze %dma_wait3A_126 : memref<1x128xi32, #tpu.memory_space<vmem>> -> memref<128xi32, #tpu.memory_space<vmem>>
    %dma_wait3A_128 = arith.constant 0 : i32
    %dma_wait3A_129 = arith.constant 0 : i32
    %dma_wait3A_130 = tpu.memref_slice %arg7[%dma_wait3A_128, %dma_wait3A_129] : memref<100000x128xf32, #tpu.memory_space<hbm>> -> memref<100000x128xf32, #tpu.memory_space<hbm>>
    tpu.wait_indirect_dma semaphore(%arg17 : memref<!tpu.dma_semaphore, #tpu.memory_space<semaphore_mem>>) src(%dma_wait3A_130 : memref<100000x128xf32, #tpu.memory_space<hbm>>) dst(%arg15 : memref<128x128xf32, #tpu.memory_space<vmem>>)
    %add3A_131 = arith.constant 128 : i32
    %add3A_132 = arith.addi %mul3A_6, %add3A_131 : i32
    "tpu.region"() ({
      %run_scoped3A = tpu.sem_alloc : memref<!tpu.dma_semaphore, #tpu.memory_space<semaphore_mem>>
      %dma_start3A_133 = arith.constant 0 : i32
      %dma_start3A_134 = tpu.memref_slice %arg11[%add3A_132, %dma_start3A_133] : memref<8192x128xf32, #tpu.memory_space<hbm>> -> memref<128x128xf32, #tpu.memory_space<hbm>>
      %dma_start3A_135 = arith.constant 0 : i32
      %dma_start3A_136 = tpu.memref_slice %arg11[%add3A_132, %dma_start3A_135] : memref<8192x128xf32, #tpu.memory_space<hbm>> -> memref<128x128xf32, #tpu.memory_space<hbm>>
      tpu.enqueue_dma source(%arg15 : memref<128x128xf32, #tpu.memory_space<vmem>>) target(%dma_start3A_136 : memref<128x128xf32, #tpu.memory_space<hbm>>) target_semaphore(%run_scoped3A : memref<!tpu.dma_semaphore, #tpu.memory_space<semaphore_mem>>)
      %dma_wait3A_137 = arith.constant 0 : i32
      %dma_wait3A_138 = tpu.memref_slice %arg11[%add3A_132, %dma_wait3A_137] : memref<8192x128xf32, #tpu.memory_space<hbm>> -> memref<128x128xf32, #tpu.memory_space<hbm>>
      %dma_wait3A_139 = arith.constant 0 : i32
      %dma_wait3A_140 = tpu.memref_slice %arg11[%add3A_132, %dma_wait3A_139] : memref<8192x128xf32, #tpu.memory_space<hbm>> -> memref<128x128xf32, #tpu.memory_space<hbm>>
      tpu.wait_dma2 semaphore(%run_scoped3A : memref<!tpu.dma_semaphore, #tpu.memory_space<semaphore_mem>>) src(%arg15 : memref<128x128xf32, #tpu.memory_space<vmem>>) dst(%dma_wait3A_140 : memref<128x128xf32, #tpu.memory_space<hbm>>)
      tpu.yield
    }) : () -> ()
    return
  }
}

#map = affine_map<(d0, d1) -> (0, 0)>
module attributes {stable_mosaic.version = 14 : i64} {
  func.func @body(%arg0: i32, %arg1: i32, %arg2: memref<128x128xi32, #tpu.memory_space<hbm>>, %arg3: memref<128x128xi32, #tpu.memory_space<hbm>>, %arg4: memref<100000x128xf32, #tpu.memory_space<hbm>>, %arg5: memref<100000x128xf32, #tpu.memory_space<hbm>>, %arg6: memref<100000x128xf32, #tpu.memory_space<hbm>>, %arg7: memref<100000x128xf32, #tpu.memory_space<hbm>>, %arg8: memref<8192x128xf32, #tpu.memory_space<hbm>>, %arg9: memref<8192x128xf32, #tpu.memory_space<hbm>>, %arg10: memref<8192x128xf32, #tpu.memory_space<hbm>>, %arg11: memref<8192x128xf32, #tpu.memory_space<hbm>>, %arg12: memref<2x128xi32, #tpu.memory_space<vmem>>, %arg13: memref<2x128xi32, #tpu.memory_space<vmem>>, %arg14: memref<128x128xf32, #tpu.memory_space<vmem>>, %arg15: memref<128x128xf32, #tpu.memory_space<vmem>>, %arg16: memref<!tpu.dma_semaphore, #tpu.memory_space<semaphore_mem>>, %arg17: memref<!tpu.dma_semaphore, #tpu.memory_space<semaphore_mem>>) attributes {dimension_semantics = [#tpu.dimension_semantics<core_parallel>, #tpu.dimension_semantics<subcore_parallel>], iteration_bounds = array<i64: 2, 16>, scalar_prefetch = 0 : i64, scratch_operands = 6 : i64, tpu.core_type = #tpu.core_type<sc_vector_subcore>, window_params = [{transform_indices = #map}, {transform_indices = #map}, {transform_indices = #map}, {transform_indices = #map}, {transform_indices = #map}, {transform_indices = #map}, {transform_indices = #map}, {transform_indices = #map}, {transform_indices = #map}, {transform_indices = #map}]} {
    %mul3A = arith.constant 2 : i32
    %mul3A_0 = arith.muli %arg1, %mul3A : i32
    %add3A = arith.addi %mul3A_0, %arg0 : i32
    %mul3A_1 = arith.constant 2 : i32
    %mul3A_2 = arith.muli %add3A, %mul3A_1 : i32
    %add3A_3 = arith.constant 64 : i32
    %add3A_4 = arith.addi %add3A_3, %mul3A_2 : i32
    "tpu.region"() ({
      %run_scoped3A = tpu.sem_alloc : memref<!tpu.dma_semaphore, #tpu.memory_space<semaphore_mem>>
      %dma_start3A_133 = arith.constant 0 : i32
      %dma_start3A_134 = tpu.memref_slice %arg2[%add3A_4, %dma_start3A_133] : memref<128x128xi32, #tpu.memory_space<hbm>> -> memref<2x128xi32, #tpu.memory_space<hbm>>
      %dma_start3A_135 = arith.constant 0 : i32
      %dma_start3A_136 = tpu.memref_slice %arg2[%add3A_4, %dma_start3A_135] : memref<128x128xi32, #tpu.memory_space<hbm>> -> memref<2x128xi32, #tpu.memory_space<hbm>>
      tpu.enqueue_dma source(%dma_start3A_136 : memref<2x128xi32, #tpu.memory_space<hbm>>) target(%arg12 : memref<2x128xi32, #tpu.memory_space<vmem>>) target_semaphore(%run_scoped3A : memref<!tpu.dma_semaphore, #tpu.memory_space<semaphore_mem>>)
      %dma_wait3A_137 = arith.constant 0 : i32
      %dma_wait3A_138 = tpu.memref_slice %arg2[%add3A_4, %dma_wait3A_137] : memref<128x128xi32, #tpu.memory_space<hbm>> -> memref<2x128xi32, #tpu.memory_space<hbm>>
      %dma_wait3A_139 = arith.constant 0 : i32
      %dma_wait3A_140 = tpu.memref_slice %arg2[%add3A_4, %dma_wait3A_139] : memref<128x128xi32, #tpu.memory_space<hbm>> -> memref<2x128xi32, #tpu.memory_space<hbm>>
      tpu.wait_dma2 semaphore(%run_scoped3A : memref<!tpu.dma_semaphore, #tpu.memory_space<semaphore_mem>>) src(%dma_wait3A_140 : memref<2x128xi32, #tpu.memory_space<hbm>>) dst(%arg12 : memref<2x128xi32, #tpu.memory_space<vmem>>)
      tpu.yield
    }) : () -> ()
    "tpu.region"() ({
      %run_scoped3A = tpu.sem_alloc : memref<!tpu.dma_semaphore, #tpu.memory_space<semaphore_mem>>
      %dma_start3A_133 = arith.constant 0 : i32
      %dma_start3A_134 = tpu.memref_slice %arg3[%add3A_4, %dma_start3A_133] : memref<128x128xi32, #tpu.memory_space<hbm>> -> memref<2x128xi32, #tpu.memory_space<hbm>>
      %dma_start3A_135 = arith.constant 0 : i32
      %dma_start3A_136 = tpu.memref_slice %arg3[%add3A_4, %dma_start3A_135] : memref<128x128xi32, #tpu.memory_space<hbm>> -> memref<2x128xi32, #tpu.memory_space<hbm>>
      tpu.enqueue_dma source(%dma_start3A_136 : memref<2x128xi32, #tpu.memory_space<hbm>>) target(%arg13 : memref<2x128xi32, #tpu.memory_space<vmem>>) target_semaphore(%run_scoped3A : memref<!tpu.dma_semaphore, #tpu.memory_space<semaphore_mem>>)
      %dma_wait3A_137 = arith.constant 0 : i32
      %dma_wait3A_138 = tpu.memref_slice %arg3[%add3A_4, %dma_wait3A_137] : memref<128x128xi32, #tpu.memory_space<hbm>> -> memref<2x128xi32, #tpu.memory_space<hbm>>
      %dma_wait3A_139 = arith.constant 0 : i32
      %dma_wait3A_140 = tpu.memref_slice %arg3[%add3A_4, %dma_wait3A_139] : memref<128x128xi32, #tpu.memory_space<hbm>> -> memref<2x128xi32, #tpu.memory_space<hbm>>
      tpu.wait_dma2 semaphore(%run_scoped3A : memref<!tpu.dma_semaphore, #tpu.memory_space<semaphore_mem>>) src(%dma_wait3A_140 : memref<2x128xi32, #tpu.memory_space<hbm>>) dst(%arg13 : memref<2x128xi32, #tpu.memory_space<vmem>>)
      tpu.yield
    }) : () -> ()
    %mul3A_5 = arith.constant 256 : i32
    %mul3A_6 = arith.muli %add3A, %mul3A_5 : i32
    %dma_start3A = arith.constant 0 : i32
    %dma_start3A_7 = arith.constant 0 : i32
    %dma_start3A_8 = tpu.memref_slice %arg12[%dma_start3A, %dma_start3A_7] : memref<2x128xi32, #tpu.memory_space<vmem>> -> memref<1x128xi32, #tpu.memory_space<vmem>>
    %dma_start3A_9 = tpu.memref_squeeze %dma_start3A_8 : memref<1x128xi32, #tpu.memory_space<vmem>> -> memref<128xi32, #tpu.memory_space<vmem>>
    %dma_start3A_10 = arith.constant 0 : i32
    %dma_start3A_11 = arith.constant 0 : i32
    %dma_start3A_12 = tpu.memref_slice %arg4[%dma_start3A_10, %dma_start3A_11] : memref<100000x128xf32, #tpu.memory_space<hbm>> -> memref<100000x128xf32, #tpu.memory_space<hbm>>
    tpu.enqueue_indirect_dma source(%dma_start3A_12 : memref<100000x128xf32, #tpu.memory_space<hbm>>) target(%arg14 : memref<128x128xf32, #tpu.memory_space<vmem>>) offsets(%dma_start3A_9 : memref<128xi32, #tpu.memory_space<vmem>>) semaphore(%arg16 : memref<!tpu.dma_semaphore, #tpu.memory_space<semaphore_mem>>)
    %dma_start3A_13 = arith.constant 1 : i32
    %dma_start3A_14 = arith.constant 0 : i32
    %dma_start3A_15 = tpu.memref_slice %arg12[%dma_start3A_13, %dma_start3A_14] : memref<2x128xi32, #tpu.memory_space<vmem>> -> memref<1x128xi32, #tpu.memory_space<vmem>>
    %dma_start3A_16 = tpu.memref_squeeze %dma_start3A_15 : memref<1x128xi32, #tpu.memory_space<vmem>> -> memref<128xi32, #tpu.memory_space<vmem>>
    %dma_start3A_17 = arith.constant 0 : i32
    %dma_start3A_18 = arith.constant 0 : i32
    %dma_start3A_19 = tpu.memref_slice %arg4[%dma_start3A_17, %dma_start3A_18] : memref<100000x128xf32, #tpu.memory_space<hbm>> -> memref<100000x128xf32, #tpu.memory_space<hbm>>
    tpu.enqueue_indirect_dma source(%dma_start3A_19 : memref<100000x128xf32, #tpu.memory_space<hbm>>) target(%arg15 : memref<128x128xf32, #tpu.memory_space<vmem>>) offsets(%dma_start3A_16 : memref<128xi32, #tpu.memory_space<vmem>>) semaphore(%arg17 : memref<!tpu.dma_semaphore, #tpu.memory_space<semaphore_mem>>)
    %dma_wait3A = arith.constant 0 : i32
    %dma_wait3A_20 = arith.constant 0 : i32
    %dma_wait3A_21 = tpu.memref_slice %arg12[%dma_wait3A, %dma_wait3A_20] : memref<2x128xi32, #tpu.memory_space<vmem>> -> memref<1x128xi32, #tpu.memory_space<vmem>>
    %dma_wait3A_22 = tpu.memref_squeeze %dma_wait3A_21 : memref<1x128xi32, #tpu.memory_space<vmem>> -> memref<128xi32, #tpu.memory_space<vmem>>
    %dma_wait3A_23 = arith.constant 0 : i32
    %dma_wait3A_24 = arith.constant 0 : i32
    %dma_wait3A_25 = tpu.memref_slice %arg4[%dma_wait3A_23, %dma_wait3A_24] : memref<100000x128xf32, #tpu.memory_space<hbm>> -> memref<100000x128xf32, #tpu.memory_space<hbm>>
    tpu.wait_indirect_dma semaphore(%arg16 : memref<!tpu.dma_semaphore, #tpu.memory_space<semaphore_mem>>) src(%dma_wait3A_25 : memref<100000x128xf32, #tpu.memory_space<hbm>>) dst(%arg14 : memref<128x128xf32, #tpu.memory_space<vmem>>)
    %add3A_26 = arith.constant 0 : i32
    %add3A_27 = arith.addi %mul3A_6, %add3A_26 : i32
    "tpu.region"() ({
      %run_scoped3A = tpu.sem_alloc : memref<!tpu.dma_semaphore, #tpu.memory_space<semaphore_mem>>
      %dma_start3A_133 = arith.constant 0 : i32
      %dma_start3A_134 = tpu.memref_slice %arg8[%add3A_27, %dma_start3A_133] : memref<8192x128xf32, #tpu.memory_space<hbm>> -> memref<128x128xf32, #tpu.memory_space<hbm>>
      %dma_start3A_135 = arith.constant 0 : i32
      %dma_start3A_136 = tpu.memref_slice %arg8[%add3A_27, %dma_start3A_135] : memref<8192x128xf32, #tpu.memory_space<hbm>> -> memref<128x128xf32, #tpu.memory_space<hbm>>
      tpu.enqueue_dma source(%arg14 : memref<128x128xf32, #tpu.memory_space<vmem>>) target(%dma_start3A_136 : memref<128x128xf32, #tpu.memory_space<hbm>>) target_semaphore(%run_scoped3A : memref<!tpu.dma_semaphore, #tpu.memory_space<semaphore_mem>>)
      %dma_wait3A_137 = arith.constant 0 : i32
      %dma_wait3A_138 = tpu.memref_slice %arg8[%add3A_27, %dma_wait3A_137] : memref<8192x128xf32, #tpu.memory_space<hbm>> -> memref<128x128xf32, #tpu.memory_space<hbm>>
      %dma_wait3A_139 = arith.constant 0 : i32
      %dma_wait3A_140 = tpu.memref_slice %arg8[%add3A_27, %dma_wait3A_139] : memref<8192x128xf32, #tpu.memory_space<hbm>> -> memref<128x128xf32, #tpu.memory_space<hbm>>
      tpu.wait_dma2 semaphore(%run_scoped3A : memref<!tpu.dma_semaphore, #tpu.memory_space<semaphore_mem>>) src(%arg14 : memref<128x128xf32, #tpu.memory_space<vmem>>) dst(%dma_wait3A_140 : memref<128x128xf32, #tpu.memory_space<hbm>>)
      tpu.yield
    }) : () -> ()
    %dma_start3A_28 = arith.constant 0 : i32
    %dma_start3A_29 = arith.constant 0 : i32
    %dma_start3A_30 = tpu.memref_slice %arg13[%dma_start3A_28, %dma_start3A_29] : memref<2x128xi32, #tpu.memory_space<vmem>> -> memref<1x128xi32, #tpu.memory_space<vmem>>
    %dma_start3A_31 = tpu.memref_squeeze %dma_start3A_30 : memref<1x128xi32, #tpu.memory_space<vmem>> -> memref<128xi32, #tpu.memory_space<vmem>>
    %dma_start3A_32 = arith.constant 0 : i32
    %dma_start3A_33 = arith.constant 0 : i32
    %dma_start3A_34 = tpu.memref_slice %arg5[%dma_start3A_32, %dma_start3A_33] : memref<100000x128xf32, #tpu.memory_space<hbm>> -> memref<100000x128xf32, #tpu.memory_space<hbm>>
    tpu.enqueue_indirect_dma source(%dma_start3A_34 : memref<100000x128xf32, #tpu.memory_space<hbm>>) target(%arg14 : memref<128x128xf32, #tpu.memory_space<vmem>>) offsets(%dma_start3A_31 : memref<128xi32, #tpu.memory_space<vmem>>) semaphore(%arg16 : memref<!tpu.dma_semaphore, #tpu.memory_space<semaphore_mem>>)
    %dma_wait3A_35 = arith.constant 1 : i32
    %dma_wait3A_36 = arith.constant 0 : i32
    %dma_wait3A_37 = tpu.memref_slice %arg12[%dma_wait3A_35, %dma_wait3A_36] : memref<2x128xi32, #tpu.memory_space<vmem>> -> memref<1x128xi32, #tpu.memory_space<vmem>>
    %dma_wait3A_38 = tpu.memref_squeeze %dma_wait3A_37 : memref<1x128xi32, #tpu.memory_space<vmem>> -> memref<128xi32, #tpu.memory_space<vmem>>
    %dma_wait3A_39 = arith.constant 0 : i32
    %dma_wait3A_40 = arith.constant 0 : i32
    %dma_wait3A_41 = tpu.memref_slice %arg4[%dma_wait3A_39, %dma_wait3A_40] : memref<100000x128xf32, #tpu.memory_space<hbm>> -> memref<100000x128xf32, #tpu.memory_space<hbm>>
    tpu.wait_indirect_dma semaphore(%arg17 : memref<!tpu.dma_semaphore, #tpu.memory_space<semaphore_mem>>) src(%dma_wait3A_41 : memref<100000x128xf32, #tpu.memory_space<hbm>>) dst(%arg15 : memref<128x128xf32, #tpu.memory_space<vmem>>)
    %add3A_42 = arith.constant 128 : i32
    %add3A_43 = arith.addi %mul3A_6, %add3A_42 : i32
    "tpu.region"() ({
      %run_scoped3A = tpu.sem_alloc : memref<!tpu.dma_semaphore, #tpu.memory_space<semaphore_mem>>
      %dma_start3A_133 = arith.constant 0 : i32
      %dma_start3A_134 = tpu.memref_slice %arg8[%add3A_43, %dma_start3A_133] : memref<8192x128xf32, #tpu.memory_space<hbm>> -> memref<128x128xf32, #tpu.memory_space<hbm>>
      %dma_start3A_135 = arith.constant 0 : i32
      %dma_start3A_136 = tpu.memref_slice %arg8[%add3A_43, %dma_start3A_135] : memref<8192x128xf32, #tpu.memory_space<hbm>> -> memref<128x128xf32, #tpu.memory_space<hbm>>
      tpu.enqueue_dma source(%arg15 : memref<128x128xf32, #tpu.memory_space<vmem>>) target(%dma_start3A_136 : memref<128x128xf32, #tpu.memory_space<hbm>>) target_semaphore(%run_scoped3A : memref<!tpu.dma_semaphore, #tpu.memory_space<semaphore_mem>>)
      %dma_wait3A_137 = arith.constant 0 : i32
      %dma_wait3A_138 = tpu.memref_slice %arg8[%add3A_43, %dma_wait3A_137] : memref<8192x128xf32, #tpu.memory_space<hbm>> -> memref<128x128xf32, #tpu.memory_space<hbm>>
      %dma_wait3A_139 = arith.constant 0 : i32
      %dma_wait3A_140 = tpu.memref_slice %arg8[%add3A_43, %dma_wait3A_139] : memref<8192x128xf32, #tpu.memory_space<hbm>> -> memref<128x128xf32, #tpu.memory_space<hbm>>
      tpu.wait_dma2 semaphore(%run_scoped3A : memref<!tpu.dma_semaphore, #tpu.memory_space<semaphore_mem>>) src(%arg15 : memref<128x128xf32, #tpu.memory_space<vmem>>) dst(%dma_wait3A_140 : memref<128x128xf32, #tpu.memory_space<hbm>>)
      tpu.yield
    }) : () -> ()
    %dma_start3A_44 = arith.constant 1 : i32
    %dma_start3A_45 = arith.constant 0 : i32
    %dma_start3A_46 = tpu.memref_slice %arg13[%dma_start3A_44, %dma_start3A_45] : memref<2x128xi32, #tpu.memory_space<vmem>> -> memref<1x128xi32, #tpu.memory_space<vmem>>
    %dma_start3A_47 = tpu.memref_squeeze %dma_start3A_46 : memref<1x128xi32, #tpu.memory_space<vmem>> -> memref<128xi32, #tpu.memory_space<vmem>>
    %dma_start3A_48 = arith.constant 0 : i32
    %dma_start3A_49 = arith.constant 0 : i32
    %dma_start3A_50 = tpu.memref_slice %arg5[%dma_start3A_48, %dma_start3A_49] : memref<100000x128xf32, #tpu.memory_space<hbm>> -> memref<100000x128xf32, #tpu.memory_space<hbm>>
    tpu.enqueue_indirect_dma source(%dma_start3A_50 : memref<100000x128xf32, #tpu.memory_space<hbm>>) target(%arg15 : memref<128x128xf32, #tpu.memory_space<vmem>>) offsets(%dma_start3A_47 : memref<128xi32, #tpu.memory_space<vmem>>) semaphore(%arg17 : memref<!tpu.dma_semaphore, #tpu.memory_space<semaphore_mem>>)
    %dma_wait3A_51 = arith.constant 0 : i32
    %dma_wait3A_52 = arith.constant 0 : i32
    %dma_wait3A_53 = tpu.memref_slice %arg13[%dma_wait3A_51, %dma_wait3A_52] : memref<2x128xi32, #tpu.memory_space<vmem>> -> memref<1x128xi32, #tpu.memory_space<vmem>>
    %dma_wait3A_54 = tpu.memref_squeeze %dma_wait3A_53 : memref<1x128xi32, #tpu.memory_space<vmem>> -> memref<128xi32, #tpu.memory_space<vmem>>
    %dma_wait3A_55 = arith.constant 0 : i32
    %dma_wait3A_56 = arith.constant 0 : i32
    %dma_wait3A_57 = tpu.memref_slice %arg5[%dma_wait3A_55, %dma_wait3A_56] : memref<100000x128xf32, #tpu.memory_space<hbm>> -> memref<100000x128xf32, #tpu.memory_space<hbm>>
    tpu.wait_indirect_dma semaphore(%arg16 : memref<!tpu.dma_semaphore, #tpu.memory_space<semaphore_mem>>) src(%dma_wait3A_57 : memref<100000x128xf32, #tpu.memory_space<hbm>>) dst(%arg14 : memref<128x128xf32, #tpu.memory_space<vmem>>)
    %add3A_58 = arith.constant 0 : i32
    %add3A_59 = arith.addi %mul3A_6, %add3A_58 : i32
    "tpu.region"() ({
      %run_scoped3A = tpu.sem_alloc : memref<!tpu.dma_semaphore, #tpu.memory_space<semaphore_mem>>
      %dma_start3A_133 = arith.constant 0 : i32
      %dma_start3A_134 = tpu.memref_slice %arg9[%add3A_59, %dma_start3A_133] : memref<8192x128xf32, #tpu.memory_space<hbm>> -> memref<128x128xf32, #tpu.memory_space<hbm>>
      %dma_start3A_135 = arith.constant 0 : i32
      %dma_start3A_136 = tpu.memref_slice %arg9[%add3A_59, %dma_start3A_135] : memref<8192x128xf32, #tpu.memory_space<hbm>> -> memref<128x128xf32, #tpu.memory_space<hbm>>
      tpu.enqueue_dma source(%arg14 : memref<128x128xf32, #tpu.memory_space<vmem>>) target(%dma_start3A_136 : memref<128x128xf32, #tpu.memory_space<hbm>>) target_semaphore(%run_scoped3A : memref<!tpu.dma_semaphore, #tpu.memory_space<semaphore_mem>>)
      %dma_wait3A_137 = arith.constant 0 : i32
      %dma_wait3A_138 = tpu.memref_slice %arg9[%add3A_59, %dma_wait3A_137] : memref<8192x128xf32, #tpu.memory_space<hbm>> -> memref<128x128xf32, #tpu.memory_space<hbm>>
      %dma_wait3A_139 = arith.constant 0 : i32
      %dma_wait3A_140 = tpu.memref_slice %arg9[%add3A_59, %dma_wait3A_139] : memref<8192x128xf32, #tpu.memory_space<hbm>> -> memref<128x128xf32, #tpu.memory_space<hbm>>
      tpu.wait_dma2 semaphore(%run_scoped3A : memref<!tpu.dma_semaphore, #tpu.memory_space<semaphore_mem>>) src(%arg14 : memref<128x128xf32, #tpu.memory_space<vmem>>) dst(%dma_wait3A_140 : memref<128x128xf32, #tpu.memory_space<hbm>>)
      tpu.yield
    }) : () -> ()
    %dma_start3A_60 = arith.constant 0 : i32
    %dma_start3A_61 = arith.constant 0 : i32
    %dma_start3A_62 = tpu.memref_slice %arg12[%dma_start3A_60, %dma_start3A_61] : memref<2x128xi32, #tpu.memory_space<vmem>> -> memref<1x128xi32, #tpu.memory_space<vmem>>
    %dma_start3A_63 = tpu.memref_squeeze %dma_start3A_62 : memref<1x128xi32, #tpu.memory_space<vmem>> -> memref<128xi32, #tpu.memory_space<vmem>>
    %dma_start3A_64 = arith.constant 0 : i32
    %dma_start3A_65 = arith.constant 0 : i32
    %dma_start3A_66 = tpu.memref_slice %arg6[%dma_start3A_64, %dma_start3A_65] : memref<100000x128xf32, #tpu.memory_space<hbm>> -> memref<100000x128xf32, #tpu.memory_space<hbm>>
    tpu.enqueue_indirect_dma source(%dma_start3A_66 : memref<100000x128xf32, #tpu.memory_space<hbm>>) target(%arg14 : memref<128x128xf32, #tpu.memory_space<vmem>>) offsets(%dma_start3A_63 : memref<128xi32, #tpu.memory_space<vmem>>) semaphore(%arg16 : memref<!tpu.dma_semaphore, #tpu.memory_space<semaphore_mem>>)
    %dma_wait3A_67 = arith.constant 1 : i32
    %dma_wait3A_68 = arith.constant 0 : i32
    %dma_wait3A_69 = tpu.memref_slice %arg13[%dma_wait3A_67, %dma_wait3A_68] : memref<2x128xi32, #tpu.memory_space<vmem>> -> memref<1x128xi32, #tpu.memory_space<vmem>>
    %dma_wait3A_70 = tpu.memref_squeeze %dma_wait3A_69 : memref<1x128xi32, #tpu.memory_space<vmem>> -> memref<128xi32, #tpu.memory_space<vmem>>
    %dma_wait3A_71 = arith.constant 0 : i32
    %dma_wait3A_72 = arith.constant 0 : i32
    %dma_wait3A_73 = tpu.memref_slice %arg5[%dma_wait3A_71, %dma_wait3A_72] : memref<100000x128xf32, #tpu.memory_space<hbm>> -> memref<100000x128xf32, #tpu.memory_space<hbm>>
    tpu.wait_indirect_dma semaphore(%arg17 : memref<!tpu.dma_semaphore, #tpu.memory_space<semaphore_mem>>) src(%dma_wait3A_73 : memref<100000x128xf32, #tpu.memory_space<hbm>>) dst(%arg15 : memref<128x128xf32, #tpu.memory_space<vmem>>)
    %add3A_74 = arith.constant 128 : i32
    %add3A_75 = arith.addi %mul3A_6, %add3A_74 : i32
    "tpu.region"() ({
      %run_scoped3A = tpu.sem_alloc : memref<!tpu.dma_semaphore, #tpu.memory_space<semaphore_mem>>
      %dma_start3A_133 = arith.constant 0 : i32
      %dma_start3A_134 = tpu.memref_slice %arg9[%add3A_75, %dma_start3A_133] : memref<8192x128xf32, #tpu.memory_space<hbm>> -> memref<128x128xf32, #tpu.memory_space<hbm>>
      %dma_start3A_135 = arith.constant 0 : i32
      %dma_start3A_136 = tpu.memref_slice %arg9[%add3A_75, %dma_start3A_135] : memref<8192x128xf32, #tpu.memory_space<hbm>> -> memref<128x128xf32, #tpu.memory_space<hbm>>
      tpu.enqueue_dma source(%arg15 : memref<128x128xf32, #tpu.memory_space<vmem>>) target(%dma_start3A_136 : memref<128x128xf32, #tpu.memory_space<hbm>>) target_semaphore(%run_scoped3A : memref<!tpu.dma_semaphore, #tpu.memory_space<semaphore_mem>>)
      %dma_wait3A_137 = arith.constant 0 : i32
      %dma_wait3A_138 = tpu.memref_slice %arg9[%add3A_75, %dma_wait3A_137] : memref<8192x128xf32, #tpu.memory_space<hbm>> -> memref<128x128xf32, #tpu.memory_space<hbm>>
      %dma_wait3A_139 = arith.constant 0 : i32
      %dma_wait3A_140 = tpu.memref_slice %arg9[%add3A_75, %dma_wait3A_139] : memref<8192x128xf32, #tpu.memory_space<hbm>> -> memref<128x128xf32, #tpu.memory_space<hbm>>
      tpu.wait_dma2 semaphore(%run_scoped3A : memref<!tpu.dma_semaphore, #tpu.memory_space<semaphore_mem>>) src(%arg15 : memref<128x128xf32, #tpu.memory_space<vmem>>) dst(%dma_wait3A_140 : memref<128x128xf32, #tpu.memory_space<hbm>>)
      tpu.yield
    }) : () -> ()
    %dma_start3A_76 = arith.constant 1 : i32
    %dma_start3A_77 = arith.constant 0 : i32
    %dma_start3A_78 = tpu.memref_slice %arg12[%dma_start3A_76, %dma_start3A_77] : memref<2x128xi32, #tpu.memory_space<vmem>> -> memref<1x128xi32, #tpu.memory_space<vmem>>
    %dma_start3A_79 = tpu.memref_squeeze %dma_start3A_78 : memref<1x128xi32, #tpu.memory_space<vmem>> -> memref<128xi32, #tpu.memory_space<vmem>>
    %dma_start3A_80 = arith.constant 0 : i32
    %dma_start3A_81 = arith.constant 0 : i32
    %dma_start3A_82 = tpu.memref_slice %arg6[%dma_start3A_80, %dma_start3A_81] : memref<100000x128xf32, #tpu.memory_space<hbm>> -> memref<100000x128xf32, #tpu.memory_space<hbm>>
    tpu.enqueue_indirect_dma source(%dma_start3A_82 : memref<100000x128xf32, #tpu.memory_space<hbm>>) target(%arg15 : memref<128x128xf32, #tpu.memory_space<vmem>>) offsets(%dma_start3A_79 : memref<128xi32, #tpu.memory_space<vmem>>) semaphore(%arg17 : memref<!tpu.dma_semaphore, #tpu.memory_space<semaphore_mem>>)
    %dma_wait3A_83 = arith.constant 0 : i32
    %dma_wait3A_84 = arith.constant 0 : i32
    %dma_wait3A_85 = tpu.memref_slice %arg12[%dma_wait3A_83, %dma_wait3A_84] : memref<2x128xi32, #tpu.memory_space<vmem>> -> memref<1x128xi32, #tpu.memory_space<vmem>>
    %dma_wait3A_86 = tpu.memref_squeeze %dma_wait3A_85 : memref<1x128xi32, #tpu.memory_space<vmem>> -> memref<128xi32, #tpu.memory_space<vmem>>
    %dma_wait3A_87 = arith.constant 0 : i32
    %dma_wait3A_88 = arith.constant 0 : i32
    %dma_wait3A_89 = tpu.memref_slice %arg6[%dma_wait3A_87, %dma_wait3A_88] : memref<100000x128xf32, #tpu.memory_space<hbm>> -> memref<100000x128xf32, #tpu.memory_space<hbm>>
    tpu.wait_indirect_dma semaphore(%arg16 : memref<!tpu.dma_semaphore, #tpu.memory_space<semaphore_mem>>) src(%dma_wait3A_89 : memref<100000x128xf32, #tpu.memory_space<hbm>>) dst(%arg14 : memref<128x128xf32, #tpu.memory_space<vmem>>)
    %add3A_90 = arith.constant 0 : i32
    %add3A_91 = arith.addi %mul3A_6, %add3A_90 : i32
    "tpu.region"() ({
      %run_scoped3A = tpu.sem_alloc : memref<!tpu.dma_semaphore, #tpu.memory_space<semaphore_mem>>
      %dma_start3A_133 = arith.constant 0 : i32
      %dma_start3A_134 = tpu.memref_slice %arg10[%add3A_91, %dma_start3A_133] : memref<8192x128xf32, #tpu.memory_space<hbm>> -> memref<128x128xf32, #tpu.memory_space<hbm>>
      %dma_start3A_135 = arith.constant 0 : i32
      %dma_start3A_136 = tpu.memref_slice %arg10[%add3A_91, %dma_start3A_135] : memref<8192x128xf32, #tpu.memory_space<hbm>> -> memref<128x128xf32, #tpu.memory_space<hbm>>
      tpu.enqueue_dma source(%arg14 : memref<128x128xf32, #tpu.memory_space<vmem>>) target(%dma_start3A_136 : memref<128x128xf32, #tpu.memory_space<hbm>>) target_semaphore(%run_scoped3A : memref<!tpu.dma_semaphore, #tpu.memory_space<semaphore_mem>>)
      %dma_wait3A_137 = arith.constant 0 : i32
      %dma_wait3A_138 = tpu.memref_slice %arg10[%add3A_91, %dma_wait3A_137] : memref<8192x128xf32, #tpu.memory_space<hbm>> -> memref<128x128xf32, #tpu.memory_space<hbm>>
      %dma_wait3A_139 = arith.constant 0 : i32
      %dma_wait3A_140 = tpu.memref_slice %arg10[%add3A_91, %dma_wait3A_139] : memref<8192x128xf32, #tpu.memory_space<hbm>> -> memref<128x128xf32, #tpu.memory_space<hbm>>
      tpu.wait_dma2 semaphore(%run_scoped3A : memref<!tpu.dma_semaphore, #tpu.memory_space<semaphore_mem>>) src(%arg14 : memref<128x128xf32, #tpu.memory_space<vmem>>) dst(%dma_wait3A_140 : memref<128x128xf32, #tpu.memory_space<hbm>>)
      tpu.yield
    }) : () -> ()
    %dma_start3A_92 = arith.constant 0 : i32
    %dma_start3A_93 = arith.constant 0 : i32
    %dma_start3A_94 = tpu.memref_slice %arg13[%dma_start3A_92, %dma_start3A_93] : memref<2x128xi32, #tpu.memory_space<vmem>> -> memref<1x128xi32, #tpu.memory_space<vmem>>
    %dma_start3A_95 = tpu.memref_squeeze %dma_start3A_94 : memref<1x128xi32, #tpu.memory_space<vmem>> -> memref<128xi32, #tpu.memory_space<vmem>>
    %dma_start3A_96 = arith.constant 0 : i32
    %dma_start3A_97 = arith.constant 0 : i32
    %dma_start3A_98 = tpu.memref_slice %arg7[%dma_start3A_96, %dma_start3A_97] : memref<100000x128xf32, #tpu.memory_space<hbm>> -> memref<100000x128xf32, #tpu.memory_space<hbm>>
    tpu.enqueue_indirect_dma source(%dma_start3A_98 : memref<100000x128xf32, #tpu.memory_space<hbm>>) target(%arg14 : memref<128x128xf32, #tpu.memory_space<vmem>>) offsets(%dma_start3A_95 : memref<128xi32, #tpu.memory_space<vmem>>) semaphore(%arg16 : memref<!tpu.dma_semaphore, #tpu.memory_space<semaphore_mem>>)
    %dma_wait3A_99 = arith.constant 1 : i32
    %dma_wait3A_100 = arith.constant 0 : i32
    %dma_wait3A_101 = tpu.memref_slice %arg12[%dma_wait3A_99, %dma_wait3A_100] : memref<2x128xi32, #tpu.memory_space<vmem>> -> memref<1x128xi32, #tpu.memory_space<vmem>>
    %dma_wait3A_102 = tpu.memref_squeeze %dma_wait3A_101 : memref<1x128xi32, #tpu.memory_space<vmem>> -> memref<128xi32, #tpu.memory_space<vmem>>
    %dma_wait3A_103 = arith.constant 0 : i32
    %dma_wait3A_104 = arith.constant 0 : i32
    %dma_wait3A_105 = tpu.memref_slice %arg6[%dma_wait3A_103, %dma_wait3A_104] : memref<100000x128xf32, #tpu.memory_space<hbm>> -> memref<100000x128xf32, #tpu.memory_space<hbm>>
    tpu.wait_indirect_dma semaphore(%arg17 : memref<!tpu.dma_semaphore, #tpu.memory_space<semaphore_mem>>) src(%dma_wait3A_105 : memref<100000x128xf32, #tpu.memory_space<hbm>>) dst(%arg15 : memref<128x128xf32, #tpu.memory_space<vmem>>)
    %add3A_106 = arith.constant 128 : i32
    %add3A_107 = arith.addi %mul3A_6, %add3A_106 : i32
    "tpu.region"() ({
      %run_scoped3A = tpu.sem_alloc : memref<!tpu.dma_semaphore, #tpu.memory_space<semaphore_mem>>
      %dma_start3A_133 = arith.constant 0 : i32
      %dma_start3A_134 = tpu.memref_slice %arg10[%add3A_107, %dma_start3A_133] : memref<8192x128xf32, #tpu.memory_space<hbm>> -> memref<128x128xf32, #tpu.memory_space<hbm>>
      %dma_start3A_135 = arith.constant 0 : i32
      %dma_start3A_136 = tpu.memref_slice %arg10[%add3A_107, %dma_start3A_135] : memref<8192x128xf32, #tpu.memory_space<hbm>> -> memref<128x128xf32, #tpu.memory_space<hbm>>
      tpu.enqueue_dma source(%arg15 : memref<128x128xf32, #tpu.memory_space<vmem>>) target(%dma_start3A_136 : memref<128x128xf32, #tpu.memory_space<hbm>>) target_semaphore(%run_scoped3A : memref<!tpu.dma_semaphore, #tpu.memory_space<semaphore_mem>>)
      %dma_wait3A_137 = arith.constant 0 : i32
      %dma_wait3A_138 = tpu.memref_slice %arg10[%add3A_107, %dma_wait3A_137] : memref<8192x128xf32, #tpu.memory_space<hbm>> -> memref<128x128xf32, #tpu.memory_space<hbm>>
      %dma_wait3A_139 = arith.constant 0 : i32
      %dma_wait3A_140 = tpu.memref_slice %arg10[%add3A_107, %dma_wait3A_139] : memref<8192x128xf32, #tpu.memory_space<hbm>> -> memref<128x128xf32, #tpu.memory_space<hbm>>
      tpu.wait_dma2 semaphore(%run_scoped3A : memref<!tpu.dma_semaphore, #tpu.memory_space<semaphore_mem>>) src(%arg15 : memref<128x128xf32, #tpu.memory_space<vmem>>) dst(%dma_wait3A_140 : memref<128x128xf32, #tpu.memory_space<hbm>>)
      tpu.yield
    }) : () -> ()
    %dma_start3A_108 = arith.constant 1 : i32
    %dma_start3A_109 = arith.constant 0 : i32
    %dma_start3A_110 = tpu.memref_slice %arg13[%dma_start3A_108, %dma_start3A_109] : memref<2x128xi32, #tpu.memory_space<vmem>> -> memref<1x128xi32, #tpu.memory_space<vmem>>
    %dma_start3A_111 = tpu.memref_squeeze %dma_start3A_110 : memref<1x128xi32, #tpu.memory_space<vmem>> -> memref<128xi32, #tpu.memory_space<vmem>>
    %dma_start3A_112 = arith.constant 0 : i32
    %dma_start3A_113 = arith.constant 0 : i32
    %dma_start3A_114 = tpu.memref_slice %arg7[%dma_start3A_112, %dma_start3A_113] : memref<100000x128xf32, #tpu.memory_space<hbm>> -> memref<100000x128xf32, #tpu.memory_space<hbm>>
    tpu.enqueue_indirect_dma source(%dma_start3A_114 : memref<100000x128xf32, #tpu.memory_space<hbm>>) target(%arg15 : memref<128x128xf32, #tpu.memory_space<vmem>>) offsets(%dma_start3A_111 : memref<128xi32, #tpu.memory_space<vmem>>) semaphore(%arg17 : memref<!tpu.dma_semaphore, #tpu.memory_space<semaphore_mem>>)
    %dma_wait3A_115 = arith.constant 0 : i32
    %dma_wait3A_116 = arith.constant 0 : i32
    %dma_wait3A_117 = tpu.memref_slice %arg13[%dma_wait3A_115, %dma_wait3A_116] : memref<2x128xi32, #tpu.memory_space<vmem>> -> memref<1x128xi32, #tpu.memory_space<vmem>>
    %dma_wait3A_118 = tpu.memref_squeeze %dma_wait3A_117 : memref<1x128xi32, #tpu.memory_space<vmem>> -> memref<128xi32, #tpu.memory_space<vmem>>
    %dma_wait3A_119 = arith.constant 0 : i32
    %dma_wait3A_120 = arith.constant 0 : i32
    %dma_wait3A_121 = tpu.memref_slice %arg7[%dma_wait3A_119, %dma_wait3A_120] : memref<100000x128xf32, #tpu.memory_space<hbm>> -> memref<100000x128xf32, #tpu.memory_space<hbm>>
    tpu.wait_indirect_dma semaphore(%arg16 : memref<!tpu.dma_semaphore, #tpu.memory_space<semaphore_mem>>) src(%dma_wait3A_121 : memref<100000x128xf32, #tpu.memory_space<hbm>>) dst(%arg14 : memref<128x128xf32, #tpu.memory_space<vmem>>)
    %add3A_122 = arith.constant 0 : i32
    %add3A_123 = arith.addi %mul3A_6, %add3A_122 : i32
    "tpu.region"() ({
      %run_scoped3A = tpu.sem_alloc : memref<!tpu.dma_semaphore, #tpu.memory_space<semaphore_mem>>
      %dma_start3A_133 = arith.constant 0 : i32
      %dma_start3A_134 = tpu.memref_slice %arg11[%add3A_123, %dma_start3A_133] : memref<8192x128xf32, #tpu.memory_space<hbm>> -> memref<128x128xf32, #tpu.memory_space<hbm>>
      %dma_start3A_135 = arith.constant 0 : i32
      %dma_start3A_136 = tpu.memref_slice %arg11[%add3A_123, %dma_start3A_135] : memref<8192x128xf32, #tpu.memory_space<hbm>> -> memref<128x128xf32, #tpu.memory_space<hbm>>
      tpu.enqueue_dma source(%arg14 : memref<128x128xf32, #tpu.memory_space<vmem>>) target(%dma_start3A_136 : memref<128x128xf32, #tpu.memory_space<hbm>>) target_semaphore(%run_scoped3A : memref<!tpu.dma_semaphore, #tpu.memory_space<semaphore_mem>>)
      %dma_wait3A_137 = arith.constant 0 : i32
      %dma_wait3A_138 = tpu.memref_slice %arg11[%add3A_123, %dma_wait3A_137] : memref<8192x128xf32, #tpu.memory_space<hbm>> -> memref<128x128xf32, #tpu.memory_space<hbm>>
      %dma_wait3A_139 = arith.constant 0 : i32
      %dma_wait3A_140 = tpu.memref_slice %arg11[%add3A_123, %dma_wait3A_139] : memref<8192x128xf32, #tpu.memory_space<hbm>> -> memref<128x128xf32, #tpu.memory_space<hbm>>
      tpu.wait_dma2 semaphore(%run_scoped3A : memref<!tpu.dma_semaphore, #tpu.memory_space<semaphore_mem>>) src(%arg14 : memref<128x128xf32, #tpu.memory_space<vmem>>) dst(%dma_wait3A_140 : memref<128x128xf32, #tpu.memory_space<hbm>>)
      tpu.yield
    }) : () -> ()
    %dma_wait3A_124 = arith.constant 1 : i32
    %dma_wait3A_125 = arith.constant 0 : i32
    %dma_wait3A_126 = tpu.memref_slice %arg13[%dma_wait3A_124, %dma_wait3A_125] : memref<2x128xi32, #tpu.memory_space<vmem>> -> memref<1x128xi32, #tpu.memory_space<vmem>>
    %dma_wait3A_127 = tpu.memref_squeeze %dma_wait3A_126 : memref<1x128xi32, #tpu.memory_space<vmem>> -> memref<128xi32, #tpu.memory_space<vmem>>
    %dma_wait3A_128 = arith.constant 0 : i32
    %dma_wait3A_129 = arith.constant 0 : i32
    %dma_wait3A_130 = tpu.memref_slice %arg7[%dma_wait3A_128, %dma_wait3A_129] : memref<100000x128xf32, #tpu.memory_space<hbm>> -> memref<100000x128xf32, #tpu.memory_space<hbm>>
    tpu.wait_indirect_dma semaphore(%arg17 : memref<!tpu.dma_semaphore, #tpu.memory_space<semaphore_mem>>) src(%dma_wait3A_130 : memref<100000x128xf32, #tpu.memory_space<hbm>>) dst(%arg15 : memref<128x128xf32, #tpu.memory_space<vmem>>)
    %add3A_131 = arith.constant 128 : i32
    %add3A_132 = arith.addi %mul3A_6, %add3A_131 : i32
    "tpu.region"() ({
      %run_scoped3A = tpu.sem_alloc : memref<!tpu.dma_semaphore, #tpu.memory_space<semaphore_mem>>
      %dma_start3A_133 = arith.constant 0 : i32
      %dma_start3A_134 = tpu.memref_slice %arg11[%add3A_132, %dma_start3A_133] : memref<8192x128xf32, #tpu.memory_space<hbm>> -> memref<128x128xf32, #tpu.memory_space<hbm>>
      %dma_start3A_135 = arith.constant 0 : i32
      %dma_start3A_136 = tpu.memref_slice %arg11[%add3A_132, %dma_start3A_135] : memref<8192x128xf32, #tpu.memory_space<hbm>> -> memref<128x128xf32, #tpu.memory_space<hbm>>
      tpu.enqueue_dma source(%arg15 : memref<128x128xf32, #tpu.memory_space<vmem>>) target(%dma_start3A_136 : memref<128x128xf32, #tpu.memory_space<hbm>>) target_semaphore(%run_scoped3A : memref<!tpu.dma_semaphore, #tpu.memory_space<semaphore_mem>>)
      %dma_wait3A_137 = arith.constant 0 : i32
      %dma_wait3A_138 = tpu.memref_slice %arg11[%add3A_132, %dma_wait3A_137] : memref<8192x128xf32, #tpu.memory_space<hbm>> -> memref<128x128xf32, #tpu.memory_space<hbm>>
      %dma_wait3A_139 = arith.constant 0 : i32
      %dma_wait3A_140 = tpu.memref_slice %arg11[%add3A_132, %dma_wait3A_139] : memref<8192x128xf32, #tpu.memory_space<hbm>> -> memref<128x128xf32, #tpu.memory_space<hbm>>
      tpu.wait_dma2 semaphore(%run_scoped3A : memref<!tpu.dma_semaphore, #tpu.memory_space<semaphore_mem>>) src(%arg15 : memref<128x128xf32, #tpu.memory_space<vmem>>) dst(%dma_wait3A_140 : memref<128x128xf32, #tpu.memory_space<hbm>>)
      tpu.yield
    }) : () -> ()
    return
  }
}

module attributes {stable_mosaic.version = 14 : i64} {
  func.func @_mlp_body(%arg0: i32, %arg1: memref<1024xf32, #tpu.memory_space<vmem>>, %arg2: memref<1024x128xf32, #tpu.memory_space<vmem>>, %arg3: memref<1024x128xf32, #tpu.memory_space<vmem>>, %arg4: memref<1024x128xf32, #tpu.memory_space<vmem>>, %arg5: memref<1024x128xf32, #tpu.memory_space<vmem>>, %arg6: memref<128x256xf32, #tpu.memory_space<vmem>>, %arg7: memref<128x256xf32, #tpu.memory_space<vmem>>, %arg8: memref<1x256xf32, #tpu.memory_space<vmem>>, %arg9: memref<256x128xf32, #tpu.memory_space<vmem>>, %arg10: memref<1x128xf32, #tpu.memory_space<vmem>>, %arg11: memref<128x64xf32, #tpu.memory_space<vmem>>, %arg12: memref<1x64xf32, #tpu.memory_space<vmem>>, %arg13: memref<1x128xf32, #tpu.memory_space<vmem>>, %arg14: memref<1x64xf32, #tpu.memory_space<vmem>>, %arg15: memref<1x1xf32, #tpu.memory_space<vmem>>, %arg16: memref<1024xf32, #tpu.memory_space<vmem>>) attributes {dimension_semantics = [#tpu.dimension_semantics<arbitrary>], iteration_bounds = array<i64: 8>, scalar_prefetch = 0 : i64, scratch_operands = 0 : i64, tpu.core_type = #tpu.core_type<tc>, window_params = [{transform_indices = @transform_0, window_bounds = array<i64: 1024>}, {transform_indices = @transform_1, window_bounds = array<i64: 1024, 128>}, {transform_indices = @transform_2, window_bounds = array<i64: 1024, 128>}, {transform_indices = @transform_3, window_bounds = array<i64: 1024, 128>}, {transform_indices = @transform_4, window_bounds = array<i64: 1024, 128>}, {pipeline_mode = #tpu.pipeline_mode<synchronous>, transform_indices = @transform_5, window_bounds = array<i64: 128, 256>}, {pipeline_mode = #tpu.pipeline_mode<synchronous>, transform_indices = @transform_6, window_bounds = array<i64: 128, 256>}, {pipeline_mode = #tpu.pipeline_mode<synchronous>, transform_indices = @transform_7, window_bounds = array<i64: 1, 256>}, {pipeline_mode = #tpu.pipeline_mode<synchronous>, transform_indices = @transform_8, window_bounds = array<i64: 256, 128>}, {pipeline_mode = #tpu.pipeline_mode<synchronous>, transform_indices = @transform_9, window_bounds = array<i64: 1, 128>}, {pipeline_mode = #tpu.pipeline_mode<synchronous>, transform_indices = @transform_10, window_bounds = array<i64: 128, 64>}, {pipeline_mode = #tpu.pipeline_mode<synchronous>, transform_indices = @transform_11, window_bounds = array<i64: 1, 64>}, {pipeline_mode = #tpu.pipeline_mode<synchronous>, transform_indices = @transform_12, window_bounds = array<i64: 1, 128>}, {pipeline_mode = #tpu.pipeline_mode<synchronous>, transform_indices = @transform_13, window_bounds = array<i64: 1, 64>}, {pipeline_mode = #tpu.pipeline_mode<synchronous>, transform_indices = @transform_14, window_bounds = array<i64: 1, 1>}, {transform_indices = @transform_15, window_bounds = array<i64: 1024>}]} {
    %get3A = arith.constant 0 : index
    %get3A_0 = arith.constant 0 : index
    %get3A_1 = vector.load %arg4[%get3A, %get3A_0] : memref<1024x128xf32, #tpu.memory_space<vmem>>, vector<1024x128xf32>
    %get3A_2 = arith.constant 0 : index
    %get3A_3 = arith.constant 0 : index
    %get3A_4 = vector.load %arg6[%get3A_2, %get3A_3] : memref<128x256xf32, #tpu.memory_space<vmem>>, vector<128x256xf32>
    %dot_general3A = arith.constant dense<0.000000e+00> : vector<1024x256xf32>
    %dot_general3A_5 = tpu.matmul %get3A_1, %get3A_4, %dot_general3A {dimension_numbers = #tpu.dot_dimension_numbers<[1], [0], [0], [1], [0, 0, 1, 1], [], []>, transpose_lhs_hint = false} : vector<1024x128xf32>, vector<128x256xf32>, vector<1024x256xf32> -> vector<1024x256xf32>
    %get3A_6 = arith.constant 0 : index
    %get3A_7 = arith.constant 0 : index
    %get3A_8 = vector.load %arg5[%get3A_6, %get3A_7] : memref<1024x128xf32, #tpu.memory_space<vmem>>, vector<1024x128xf32>
    %get3A_9 = arith.constant 0 : index
    %get3A_10 = arith.constant 0 : index
    %get3A_11 = vector.load %arg7[%get3A_9, %get3A_10] : memref<128x256xf32, #tpu.memory_space<vmem>>, vector<128x256xf32>
    %dot_general3A_12 = arith.constant dense<0.000000e+00> : vector<1024x256xf32>
    %dot_general3A_13 = tpu.matmul %get3A_8, %get3A_11, %dot_general3A_12 {dimension_numbers = #tpu.dot_dimension_numbers<[1], [0], [0], [1], [0, 0, 1, 1], [], []>, transpose_lhs_hint = false} : vector<1024x128xf32>, vector<128x256xf32>, vector<1024x256xf32> -> vector<1024x256xf32>
    %add3A = arith.addf %dot_general3A_5, %dot_general3A_13 : vector<1024x256xf32>
    %get3A_14 = arith.constant 0 : index
    %get3A_15 = arith.constant 0 : index
    %get3A_16 = vector.load %arg8[%get3A_14, %get3A_15] : memref<1x256xf32, #tpu.memory_space<vmem>>, vector<1x256xf32>
    %add3A_17 = vector.broadcast %get3A_16 : vector<1x256xf32> to vector<1024x256xf32>
    %add3A_18 = arith.addf %add3A, %add3A_17 : vector<1024x256xf32>
    %max3A = arith.constant 0.000000e+00 : f32
    %max3A_19 = vector.broadcast %max3A : f32 to vector<1024x256xf32>
    %max3A_20 = arith.maximumf %add3A_18, %max3A_19 : vector<1024x256xf32>
    %get3A_21 = arith.constant 0 : index
    %get3A_22 = arith.constant 0 : index
    %get3A_23 = vector.load %arg9[%get3A_21, %get3A_22] : memref<256x128xf32, #tpu.memory_space<vmem>>, vector<256x128xf32>
    %dot_general3A_24 = arith.constant dense<0.000000e+00> : vector<1024x128xf32>
    %dot_general3A_25 = tpu.matmul %max3A_20, %get3A_23, %dot_general3A_24 {dimension_numbers = #tpu.dot_dimension_numbers<[1], [0], [0], [1], [0, 0, 1, 1], [], []>, transpose_lhs_hint = false} : vector<1024x256xf32>, vector<256x128xf32>, vector<1024x128xf32> -> vector<1024x128xf32>
    %get3A_26 = arith.constant 0 : index
    %get3A_27 = arith.constant 0 : index
    %get3A_28 = vector.load %arg10[%get3A_26, %get3A_27] : memref<1x128xf32, #tpu.memory_space<vmem>>, vector<1x128xf32>
    %add3A_29 = vector.broadcast %get3A_28 : vector<1x128xf32> to vector<1024x128xf32>
    %add3A_30 = arith.addf %dot_general3A_25, %add3A_29 : vector<1024x128xf32>
    %max3A_31 = arith.constant 0.000000e+00 : f32
    %max3A_32 = vector.broadcast %max3A_31 : f32 to vector<1024x128xf32>
    %max3A_33 = arith.maximumf %add3A_30, %max3A_32 : vector<1024x128xf32>
    %get3A_34 = arith.constant 0 : index
    %get3A_35 = arith.constant 0 : index
    %get3A_36 = vector.load %arg11[%get3A_34, %get3A_35] : memref<128x64xf32, #tpu.memory_space<vmem>>, vector<128x64xf32>
    %dot_general3A_37 = arith.constant dense<0.000000e+00> : vector<1024x64xf32>
    %dot_general3A_38 = tpu.matmul %max3A_33, %get3A_36, %dot_general3A_37 {dimension_numbers = #tpu.dot_dimension_numbers<[1], [0], [0], [1], [0, 0, 1, 1], [], []>, transpose_lhs_hint = false} : vector<1024x128xf32>, vector<128x64xf32>, vector<1024x64xf32> -> vector<1024x64xf32>
    %get3A_39 = arith.constant 0 : index
    %get3A_40 = arith.constant 0 : index
    %get3A_41 = vector.load %arg12[%get3A_39, %get3A_40] : memref<1x64xf32, #tpu.memory_space<vmem>>, vector<1x64xf32>
    %add3A_42 = vector.broadcast %get3A_41 : vector<1x64xf32> to vector<1024x64xf32>
    %add3A_43 = arith.addf %dot_general3A_38, %add3A_42 : vector<1024x64xf32>
    %max3A_44 = arith.constant 0.000000e+00 : f32
    %max3A_45 = vector.broadcast %max3A_44 : f32 to vector<1024x64xf32>
    %max3A_46 = arith.maximumf %add3A_43, %max3A_45 : vector<1024x64xf32>
    %get3A_47 = arith.constant 0 : index
    %get3A_48 = arith.constant 0 : index
    %get3A_49 = vector.load %arg2[%get3A_47, %get3A_48] : memref<1024x128xf32, #tpu.memory_space<vmem>>, vector<1024x128xf32>
    %get3A_50 = arith.constant 0 : index
    %get3A_51 = arith.constant 0 : index
    %get3A_52 = vector.load %arg3[%get3A_50, %get3A_51] : memref<1024x128xf32, #tpu.memory_space<vmem>>, vector<1024x128xf32>
    %mul3A = arith.mulf %get3A_49, %get3A_52 : vector<1024x128xf32>
    %get3A_53 = arith.constant 0 : index
    %get3A_54 = arith.constant 0 : index
    %get3A_55 = vector.load %arg13[%get3A_53, %get3A_54] : memref<1x128xf32, #tpu.memory_space<vmem>>, vector<1x128xf32>
    %mul3A_56 = vector.broadcast %get3A_55 : vector<1x128xf32> to vector<1024x128xf32>
    %mul3A_57 = arith.mulf %mul3A, %mul3A_56 : vector<1024x128xf32>
    %reduce_sum3A = arith.constant dense<0.000000e+00> : vector<1024xf32>
    %reduce_sum3A_58 = vector.multi_reduction <add>, %mul3A_57, %reduce_sum3A [1] : vector<1024x128xf32> to vector<1024xf32>
    %get3A_59 = arith.constant 0 : index
    %get3A_60 = arith.constant 0 : index
    %get3A_61 = vector.load %arg14[%get3A_59, %get3A_60] : memref<1x64xf32, #tpu.memory_space<vmem>>, vector<1x64xf32>
    %mul3A_62 = vector.broadcast %get3A_61 : vector<1x64xf32> to vector<1024x64xf32>
    %mul3A_63 = arith.mulf %max3A_46, %mul3A_62 : vector<1024x64xf32>
    %reduce_sum3A_64 = arith.constant dense<0.000000e+00> : vector<1024xf32>
    %reduce_sum3A_65 = vector.multi_reduction <add>, %mul3A_63, %reduce_sum3A_64 [1] : vector<1024x64xf32> to vector<1024xf32>
    %add3A_66 = arith.addf %reduce_sum3A_58, %reduce_sum3A_65 : vector<1024xf32>
    %get3A_67 = arith.constant 0 : index
    %get3A_68 = arith.constant 0 : index
    %get3A_69 = vector.load %arg15[%get3A_67, %get3A_68] : memref<1x1xf32, #tpu.memory_space<vmem>>, vector<1x1xf32>
    %get3A_70 = vector.extract %get3A_69[0, 0] : f32 from vector<1x1xf32>
    %add3A_71 = vector.broadcast %get3A_70 : f32 to vector<1024xf32>
    %add3A_72 = arith.addf %add3A_66, %add3A_71 : vector<1024xf32>
    %neg3A = arith.constant 0.000000e+00 : f32
    %neg3A_73 = vector.broadcast %neg3A : f32 to vector<1024xf32>
    %neg3A_74 = arith.subf %neg3A_73, %add3A_72 : vector<1024xf32>
    %exp3A = math.exp %neg3A_74 : vector<1024xf32>
    %add3A_75 = arith.constant 1.000000e+00 : f32
    %add3A_76 = vector.broadcast %add3A_75 : f32 to vector<1024xf32>
    %add3A_77 = arith.addf %add3A_76, %exp3A : vector<1024xf32>
    %div3A = arith.constant 1.000000e+00 : f32
    %div3A_78 = vector.broadcast %div3A : f32 to vector<1024xf32>
    %div3A_79 = arith.divf %div3A_78, %add3A_77 : vector<1024xf32>
    %swap3A = arith.constant 0 : index
    %swap3A_80 = vector.load %arg16[%swap3A] : memref<1024xf32, #tpu.memory_space<vmem>>, vector<1024xf32>
    tpu.vector_store %arg16[%swap3A], %div3A_79 {strides = array<i32>} : memref<1024xf32, #tpu.memory_space<vmem>>, vector<1024xf32>,
    return
  }
  func.func @transform_0(%arg0: i32) -> i32 {
    %add3A = arith.constant 8 : i32
    %add3A_0 = arith.addi %add3A, %arg0 : i32
    %c0_i32 = arith.constant 0 : i32
    return %add3A_0 : i32
  }
  func.func @transform_1(%arg0: i32) -> (i32, i32) {
    %c0_i32 = arith.constant 0 : i32
    %c0_i32_0 = arith.constant 0 : i32
    return %arg0, %c0_i32 : i32, i32
  }
  func.func @transform_2(%arg0: i32) -> (i32, i32) {
    %c0_i32 = arith.constant 0 : i32
    %c0_i32_0 = arith.constant 0 : i32
    return %arg0, %c0_i32 : i32, i32
  }
  func.func @transform_3(%arg0: i32) -> (i32, i32) {
    %c0_i32 = arith.constant 0 : i32
    %c0_i32_0 = arith.constant 0 : i32
    return %arg0, %c0_i32 : i32, i32
  }
  func.func @transform_4(%arg0: i32) -> (i32, i32) {
    %c0_i32 = arith.constant 0 : i32
    %c0_i32_0 = arith.constant 0 : i32
    return %arg0, %c0_i32 : i32, i32
  }
  func.func @transform_5(%arg0: i32) -> (i32, i32) {
    %c0_i32 = arith.constant 0 : i32
    %c0_i32_0 = arith.constant 0 : i32
    %c0_i32_1 = arith.constant 0 : i32
    return %c0_i32, %c0_i32_0 : i32, i32
  }
  func.func @transform_6(%arg0: i32) -> (i32, i32) {
    %c0_i32 = arith.constant 0 : i32
    %c0_i32_0 = arith.constant 0 : i32
    %c0_i32_1 = arith.constant 0 : i32
    return %c0_i32, %c0_i32_0 : i32, i32
  }
  func.func @transform_7(%arg0: i32) -> (i32, i32) {
    %c0_i32 = arith.constant 0 : i32
    %c0_i32_0 = arith.constant 0 : i32
    %c0_i32_1 = arith.constant 0 : i32
    return %c0_i32, %c0_i32_0 : i32, i32
  }
  func.func @transform_8(%arg0: i32) -> (i32, i32) {
    %c0_i32 = arith.constant 0 : i32
    %c0_i32_0 = arith.constant 0 : i32
    %c0_i32_1 = arith.constant 0 : i32
    return %c0_i32, %c0_i32_0 : i32, i32
  }
  func.func @transform_9(%arg0: i32) -> (i32, i32) {
    %c0_i32 = arith.constant 0 : i32
    %c0_i32_0 = arith.constant 0 : i32
    %c0_i32_1 = arith.constant 0 : i32
    return %c0_i32, %c0_i32_0 : i32, i32
  }
  func.func @transform_10(%arg0: i32) -> (i32, i32) {
    %c0_i32 = arith.constant 0 : i32
    %c0_i32_0 = arith.constant 0 : i32
    %c0_i32_1 = arith.constant 0 : i32
    return %c0_i32, %c0_i32_0 : i32, i32
  }
  func.func @transform_11(%arg0: i32) -> (i32, i32) {
    %c0_i32 = arith.constant 0 : i32
    %c0_i32_0 = arith.constant 0 : i32
    %c0_i32_1 = arith.constant 0 : i32
    return %c0_i32, %c0_i32_0 : i32, i32
  }
  func.func @transform_12(%arg0: i32) -> (i32, i32) {
    %c0_i32 = arith.constant 0 : i32
    %c0_i32_0 = arith.constant 0 : i32
    %c0_i32_1 = arith.constant 0 : i32
    return %c0_i32, %c0_i32_0 : i32, i32
  }
  func.func @transform_13(%arg0: i32) -> (i32, i32) {
    %c0_i32 = arith.constant 0 : i32
    %c0_i32_0 = arith.constant 0 : i32
    %c0_i32_1 = arith.constant 0 : i32
    return %c0_i32, %c0_i32_0 : i32, i32
  }
  func.func @transform_14(%arg0: i32) -> (i32, i32) {
    %c0_i32 = arith.constant 0 : i32
    %c0_i32_0 = arith.constant 0 : i32
    %c0_i32_1 = arith.constant 0 : i32
    return %c0_i32, %c0_i32_0 : i32, i32
  }
  func.func @transform_15(%arg0: i32) -> i32 {
    %add3A = arith.constant 8 : i32
    %add3A_0 = arith.addi %add3A, %arg0 : i32
    %c0_i32 = arith.constant 0 : i32
    return %add3A_0 : i32
  }
}

module attributes {stable_mosaic.version = 14 : i64} {
  func.func @_mlp_body(%arg0: i32, %arg1: memref<1024xf32, #tpu.memory_space<vmem>>, %arg2: memref<1024x128xf32, #tpu.memory_space<vmem>>, %arg3: memref<1024x128xf32, #tpu.memory_space<vmem>>, %arg4: memref<1024x128xf32, #tpu.memory_space<vmem>>, %arg5: memref<1024x128xf32, #tpu.memory_space<vmem>>, %arg6: memref<128x256xf32, #tpu.memory_space<vmem>>, %arg7: memref<128x256xf32, #tpu.memory_space<vmem>>, %arg8: memref<1x256xf32, #tpu.memory_space<vmem>>, %arg9: memref<256x128xf32, #tpu.memory_space<vmem>>, %arg10: memref<1x128xf32, #tpu.memory_space<vmem>>, %arg11: memref<128x64xf32, #tpu.memory_space<vmem>>, %arg12: memref<1x64xf32, #tpu.memory_space<vmem>>, %arg13: memref<1x128xf32, #tpu.memory_space<vmem>>, %arg14: memref<1x64xf32, #tpu.memory_space<vmem>>, %arg15: memref<1x1xf32, #tpu.memory_space<vmem>>, %arg16: memref<1024xf32, #tpu.memory_space<vmem>>) attributes {dimension_semantics = [#tpu.dimension_semantics<arbitrary>], iteration_bounds = array<i64: 8>, scalar_prefetch = 0 : i64, scratch_operands = 0 : i64, tpu.core_type = #tpu.core_type<tc>, window_params = [{transform_indices = @transform_0, window_bounds = array<i64: 1024>}, {transform_indices = @transform_1, window_bounds = array<i64: 1024, 128>}, {transform_indices = @transform_2, window_bounds = array<i64: 1024, 128>}, {transform_indices = @transform_3, window_bounds = array<i64: 1024, 128>}, {transform_indices = @transform_4, window_bounds = array<i64: 1024, 128>}, {pipeline_mode = #tpu.pipeline_mode<synchronous>, transform_indices = @transform_5, window_bounds = array<i64: 128, 256>}, {pipeline_mode = #tpu.pipeline_mode<synchronous>, transform_indices = @transform_6, window_bounds = array<i64: 128, 256>}, {pipeline_mode = #tpu.pipeline_mode<synchronous>, transform_indices = @transform_7, window_bounds = array<i64: 1, 256>}, {pipeline_mode = #tpu.pipeline_mode<synchronous>, transform_indices = @transform_8, window_bounds = array<i64: 256, 128>}, {pipeline_mode = #tpu.pipeline_mode<synchronous>, transform_indices = @transform_9, window_bounds = array<i64: 1, 128>}, {pipeline_mode = #tpu.pipeline_mode<synchronous>, transform_indices = @transform_10, window_bounds = array<i64: 128, 64>}, {pipeline_mode = #tpu.pipeline_mode<synchronous>, transform_indices = @transform_11, window_bounds = array<i64: 1, 64>}, {pipeline_mode = #tpu.pipeline_mode<synchronous>, transform_indices = @transform_12, window_bounds = array<i64: 1, 128>}, {pipeline_mode = #tpu.pipeline_mode<synchronous>, transform_indices = @transform_13, window_bounds = array<i64: 1, 64>}, {pipeline_mode = #tpu.pipeline_mode<synchronous>, transform_indices = @transform_14, window_bounds = array<i64: 1, 1>}, {transform_indices = @transform_15, window_bounds = array<i64: 1024>}]} {
    %get3A = arith.constant 0 : index
    %get3A_0 = arith.constant 0 : index
    %get3A_1 = vector.load %arg4[%get3A, %get3A_0] : memref<1024x128xf32, #tpu.memory_space<vmem>>, vector<1024x128xf32>
    %get3A_2 = arith.constant 0 : index
    %get3A_3 = arith.constant 0 : index
    %get3A_4 = vector.load %arg6[%get3A_2, %get3A_3] : memref<128x256xf32, #tpu.memory_space<vmem>>, vector<128x256xf32>
    %dot_general3A = arith.constant dense<0.000000e+00> : vector<1024x256xf32>
    %dot_general3A_5 = tpu.matmul %get3A_1, %get3A_4, %dot_general3A {dimension_numbers = #tpu.dot_dimension_numbers<[1], [0], [0], [1], [0, 0, 1, 1], [], []>, transpose_lhs_hint = false} : vector<1024x128xf32>, vector<128x256xf32>, vector<1024x256xf32> -> vector<1024x256xf32>
    %get3A_6 = arith.constant 0 : index
    %get3A_7 = arith.constant 0 : index
    %get3A_8 = vector.load %arg5[%get3A_6, %get3A_7] : memref<1024x128xf32, #tpu.memory_space<vmem>>, vector<1024x128xf32>
    %get3A_9 = arith.constant 0 : index
    %get3A_10 = arith.constant 0 : index
    %get3A_11 = vector.load %arg7[%get3A_9, %get3A_10] : memref<128x256xf32, #tpu.memory_space<vmem>>, vector<128x256xf32>
    %dot_general3A_12 = arith.constant dense<0.000000e+00> : vector<1024x256xf32>
    %dot_general3A_13 = tpu.matmul %get3A_8, %get3A_11, %dot_general3A_12 {dimension_numbers = #tpu.dot_dimension_numbers<[1], [0], [0], [1], [0, 0, 1, 1], [], []>, transpose_lhs_hint = false} : vector<1024x128xf32>, vector<128x256xf32>, vector<1024x256xf32> -> vector<1024x256xf32>
    %add3A = arith.addf %dot_general3A_5, %dot_general3A_13 : vector<1024x256xf32>
    %get3A_14 = arith.constant 0 : index
    %get3A_15 = arith.constant 0 : index
    %get3A_16 = vector.load %arg8[%get3A_14, %get3A_15] : memref<1x256xf32, #tpu.memory_space<vmem>>, vector<1x256xf32>
    %add3A_17 = vector.broadcast %get3A_16 : vector<1x256xf32> to vector<1024x256xf32>
    %add3A_18 = arith.addf %add3A, %add3A_17 : vector<1024x256xf32>
    %max3A = arith.constant 0.000000e+00 : f32
    %max3A_19 = vector.broadcast %max3A : f32 to vector<1024x256xf32>
    %max3A_20 = arith.maximumf %add3A_18, %max3A_19 : vector<1024x256xf32>
    %get3A_21 = arith.constant 0 : index
    %get3A_22 = arith.constant 0 : index
    %get3A_23 = vector.load %arg9[%get3A_21, %get3A_22] : memref<256x128xf32, #tpu.memory_space<vmem>>, vector<256x128xf32>
    %dot_general3A_24 = arith.constant dense<0.000000e+00> : vector<1024x128xf32>
    %dot_general3A_25 = tpu.matmul %max3A_20, %get3A_23, %dot_general3A_24 {dimension_numbers = #tpu.dot_dimension_numbers<[1], [0], [0], [1], [0, 0, 1, 1], [], []>, transpose_lhs_hint = false} : vector<1024x256xf32>, vector<256x128xf32>, vector<1024x128xf32> -> vector<1024x128xf32>
    %get3A_26 = arith.constant 0 : index
    %get3A_27 = arith.constant 0 : index
    %get3A_28 = vector.load %arg10[%get3A_26, %get3A_27] : memref<1x128xf32, #tpu.memory_space<vmem>>, vector<1x128xf32>
    %add3A_29 = vector.broadcast %get3A_28 : vector<1x128xf32> to vector<1024x128xf32>
    %add3A_30 = arith.addf %dot_general3A_25, %add3A_29 : vector<1024x128xf32>
    %max3A_31 = arith.constant 0.000000e+00 : f32
    %max3A_32 = vector.broadcast %max3A_31 : f32 to vector<1024x128xf32>
    %max3A_33 = arith.maximumf %add3A_30, %max3A_32 : vector<1024x128xf32>
    %get3A_34 = arith.constant 0 : index
    %get3A_35 = arith.constant 0 : index
    %get3A_36 = vector.load %arg11[%get3A_34, %get3A_35] : memref<128x64xf32, #tpu.memory_space<vmem>>, vector<128x64xf32>
    %dot_general3A_37 = arith.constant dense<0.000000e+00> : vector<1024x64xf32>
    %dot_general3A_38 = tpu.matmul %max3A_33, %get3A_36, %dot_general3A_37 {dimension_numbers = #tpu.dot_dimension_numbers<[1], [0], [0], [1], [0, 0, 1, 1], [], []>, transpose_lhs_hint = false} : vector<1024x128xf32>, vector<128x64xf32>, vector<1024x64xf32> -> vector<1024x64xf32>
    %get3A_39 = arith.constant 0 : index
    %get3A_40 = arith.constant 0 : index
    %get3A_41 = vector.load %arg12[%get3A_39, %get3A_40] : memref<1x64xf32, #tpu.memory_space<vmem>>, vector<1x64xf32>
    %add3A_42 = vector.broadcast %get3A_41 : vector<1x64xf32> to vector<1024x64xf32>
    %add3A_43 = arith.addf %dot_general3A_38, %add3A_42 : vector<1024x64xf32>
    %max3A_44 = arith.constant 0.000000e+00 : f32
    %max3A_45 = vector.broadcast %max3A_44 : f32 to vector<1024x64xf32>
    %max3A_46 = arith.maximumf %add3A_43, %max3A_45 : vector<1024x64xf32>
    %get3A_47 = arith.constant 0 : index
    %get3A_48 = arith.constant 0 : index
    %get3A_49 = vector.load %arg2[%get3A_47, %get3A_48] : memref<1024x128xf32, #tpu.memory_space<vmem>>, vector<1024x128xf32>
    %get3A_50 = arith.constant 0 : index
    %get3A_51 = arith.constant 0 : index
    %get3A_52 = vector.load %arg3[%get3A_50, %get3A_51] : memref<1024x128xf32, #tpu.memory_space<vmem>>, vector<1024x128xf32>
    %mul3A = arith.mulf %get3A_49, %get3A_52 : vector<1024x128xf32>
    %get3A_53 = arith.constant 0 : index
    %get3A_54 = arith.constant 0 : index
    %get3A_55 = vector.load %arg13[%get3A_53, %get3A_54] : memref<1x128xf32, #tpu.memory_space<vmem>>, vector<1x128xf32>
    %mul3A_56 = vector.broadcast %get3A_55 : vector<1x128xf32> to vector<1024x128xf32>
    %mul3A_57 = arith.mulf %mul3A, %mul3A_56 : vector<1024x128xf32>
    %reduce_sum3A = arith.constant dense<0.000000e+00> : vector<1024xf32>
    %reduce_sum3A_58 = vector.multi_reduction <add>, %mul3A_57, %reduce_sum3A [1] : vector<1024x128xf32> to vector<1024xf32>
    %get3A_59 = arith.constant 0 : index
    %get3A_60 = arith.constant 0 : index
    %get3A_61 = vector.load %arg14[%get3A_59, %get3A_60] : memref<1x64xf32, #tpu.memory_space<vmem>>, vector<1x64xf32>
    %mul3A_62 = vector.broadcast %get3A_61 : vector<1x64xf32> to vector<1024x64xf32>
    %mul3A_63 = arith.mulf %max3A_46, %mul3A_62 : vector<1024x64xf32>
    %reduce_sum3A_64 = arith.constant dense<0.000000e+00> : vector<1024xf32>
    %reduce_sum3A_65 = vector.multi_reduction <add>, %mul3A_63, %reduce_sum3A_64 [1] : vector<1024x64xf32> to vector<1024xf32>
    %add3A_66 = arith.addf %reduce_sum3A_58, %reduce_sum3A_65 : vector<1024xf32>
    %get3A_67 = arith.constant 0 : index
    %get3A_68 = arith.constant 0 : index
    %get3A_69 = vector.load %arg15[%get3A_67, %get3A_68] : memref<1x1xf32, #tpu.memory_space<vmem>>, vector<1x1xf32>
    %get3A_70 = vector.extract %get3A_69[0, 0] : f32 from vector<1x1xf32>
    %add3A_71 = vector.broadcast %get3A_70 : f32 to vector<1024xf32>
    %add3A_72 = arith.addf %add3A_66, %add3A_71 : vector<1024xf32>
    %neg3A = arith.constant 0.000000e+00 : f32
    %neg3A_73 = vector.broadcast %neg3A : f32 to vector<1024xf32>
    %neg3A_74 = arith.subf %neg3A_73, %add3A_72 : vector<1024xf32>
    %exp3A = math.exp %neg3A_74 : vector<1024xf32>
    %add3A_75 = arith.constant 1.000000e+00 : f32
    %add3A_76 = vector.broadcast %add3A_75 : f32 to vector<1024xf32>
    %add3A_77 = arith.addf %add3A_76, %exp3A : vector<1024xf32>
    %div3A = arith.constant 1.000000e+00 : f32
    %div3A_78 = vector.broadcast %div3A : f32 to vector<1024xf32>
    %div3A_79 = arith.divf %div3A_78, %add3A_77 : vector<1024xf32>
    %swap3A = arith.constant 0 : index
    %swap3A_80 = vector.load %arg16[%swap3A] : memref<1024xf32, #tpu.memory_space<vmem>>, vector<1024xf32>
    tpu.vector_store %arg16[%swap3A], %div3A_79 {strides = array<i32>} : memref<1024xf32, #tpu.memory_space<vmem>>, vector<1024xf32>,
    return
  }
  func.func @transform_0(%arg0: i32) -> i32 {
    %add3A = arith.constant 0 : i32
    %add3A_0 = arith.addi %add3A, %arg0 : i32
    %c0_i32 = arith.constant 0 : i32
    return %add3A_0 : i32
  }
  func.func @transform_1(%arg0: i32) -> (i32, i32) {
    %c0_i32 = arith.constant 0 : i32
    %c0_i32_0 = arith.constant 0 : i32
    return %arg0, %c0_i32 : i32, i32
  }
  func.func @transform_2(%arg0: i32) -> (i32, i32) {
    %c0_i32 = arith.constant 0 : i32
    %c0_i32_0 = arith.constant 0 : i32
    return %arg0, %c0_i32 : i32, i32
  }
  func.func @transform_3(%arg0: i32) -> (i32, i32) {
    %c0_i32 = arith.constant 0 : i32
    %c0_i32_0 = arith.constant 0 : i32
    return %arg0, %c0_i32 : i32, i32
  }
  func.func @transform_4(%arg0: i32) -> (i32, i32) {
    %c0_i32 = arith.constant 0 : i32
    %c0_i32_0 = arith.constant 0 : i32
    return %arg0, %c0_i32 : i32, i32
  }
  func.func @transform_5(%arg0: i32) -> (i32, i32) {
    %c0_i32 = arith.constant 0 : i32
    %c0_i32_0 = arith.constant 0 : i32
    %c0_i32_1 = arith.constant 0 : i32
    return %c0_i32, %c0_i32_0 : i32, i32
  }
  func.func @transform_6(%arg0: i32) -> (i32, i32) {
    %c0_i32 = arith.constant 0 : i32
    %c0_i32_0 = arith.constant 0 : i32
    %c0_i32_1 = arith.constant 0 : i32
    return %c0_i32, %c0_i32_0 : i32, i32
  }
  func.func @transform_7(%arg0: i32) -> (i32, i32) {
    %c0_i32 = arith.constant 0 : i32
    %c0_i32_0 = arith.constant 0 : i32
    %c0_i32_1 = arith.constant 0 : i32
    return %c0_i32, %c0_i32_0 : i32, i32
  }
  func.func @transform_8(%arg0: i32) -> (i32, i32) {
    %c0_i32 = arith.constant 0 : i32
    %c0_i32_0 = arith.constant 0 : i32
    %c0_i32_1 = arith.constant 0 : i32
    return %c0_i32, %c0_i32_0 : i32, i32
  }
  func.func @transform_9(%arg0: i32) -> (i32, i32) {
    %c0_i32 = arith.constant 0 : i32
    %c0_i32_0 = arith.constant 0 : i32
    %c0_i32_1 = arith.constant 0 : i32
    return %c0_i32, %c0_i32_0 : i32, i32
  }
  func.func @transform_10(%arg0: i32) -> (i32, i32) {
    %c0_i32 = arith.constant 0 : i32
    %c0_i32_0 = arith.constant 0 : i32
    %c0_i32_1 = arith.constant 0 : i32
    return %c0_i32, %c0_i32_0 : i32, i32
  }
  func.func @transform_11(%arg0: i32) -> (i32, i32) {
    %c0_i32 = arith.constant 0 : i32
    %c0_i32_0 = arith.constant 0 : i32
    %c0_i32_1 = arith.constant 0 : i32
    return %c0_i32, %c0_i32_0 : i32, i32
  }
  func.func @transform_12(%arg0: i32) -> (i32, i32) {
    %c0_i32 = arith.constant 0 : i32
    %c0_i32_0 = arith.constant 0 : i32
    %c0_i32_1 = arith.constant 0 : i32
    return %c0_i32, %c0_i32_0 : i32, i32
  }
  func.func @transform_13(%arg0: i32) -> (i32, i32) {
    %c0_i32 = arith.constant 0 : i32
    %c0_i32_0 = arith.constant 0 : i32
    %c0_i32_1 = arith.constant 0 : i32
    return %c0_i32, %c0_i32_0 : i32, i32
  }
  func.func @transform_14(%arg0: i32) -> (i32, i32) {
    %c0_i32 = arith.constant 0 : i32
    %c0_i32_0 = arith.constant 0 : i32
    %c0_i32_1 = arith.constant 0 : i32
    return %c0_i32, %c0_i32_0 : i32, i32
  }
  func.func @transform_15(%arg0: i32) -> i32 {
    %add3A = arith.constant 0 : i32
    %add3A_0 = arith.addi %add3A, %arg0 : i32
    %c0_i32 = arith.constant 0 : i32
    return %add3A_0 : i32
  }
}

</mosaic_0001>

<sc_bundles>
// kernel: kernel.6.cloned.1.call-start
scs
__scs_entry_jumppad:
0x0: {  	(pc) =	sbr.rel $0x88, $3  }
0x1: {  	(tag) =	ssettag $0x0;
	lr =	simm.s32 $0x1  }
0x2: {  	[smem:$0x3F93] =	sst lr;
	_ =	strace $0xD0000000  }
0x3: {  	_ = 	snop  }
0x4: {  	_ = 	snop  }
0x5: {  	_ = 	snop  }
0x6: {  	_ = 	snop  }
0x7: {  	_ = 	snop  }
__scs_overlays_trampoline_lowered:
0x8: {  	[smem:$0x3FA2] =	sst s0  }
0x9: {  	[smem:$0x3FA3] =	sst s1  }
0xa: {  	[smem:$0x3FA4] =	sst s2  }
0xb: {  	[smem:$0x3FA5] =	sst s3  }
0xc: {  	[smem:$0x3FA6] =	sst s4  }
0xd: {  	[smem:$0x3FA7] =	sst s5  }
0xe: {  	[smem:$0x3FA8] =	sst s6  }
0xf: {  	[smem:$0x3FA9] =	sst s7  }
0x10: {  	[smem:$0x3FAA] =	sst s8  }
0x11: {  	[smem:$0x3FAB] =	sst s9;
	s0 =	simm.s32 @!p0 $0x0  }
0x12: {  	s1 =	sld [smem:$0x3F91];
	s0 =	simm.s32 @p0 $0x1  }
0x13: {  	[smem:$0x3FAC] =	sst s0;
	s0 =	simm.s32 @!p1 $0x0  }
0x14: {  	s2 =	sld [smem:$0x3F90];
	s0 =	simm.s32 @p1 $0x1  }
0x15: {  	[smem:$0x3FAD] =	sst s0;
	s0 =	simm.s32 @!p2 $0x0  }
0x16: {  	s3 =	sld [smem:$0x3FDB];
	s0 =	simm.s32 @p2 $0x1  }
0x17: {  	s4 =	simm.s32 $0x1BF5;
	[smem:$0x3FAF] =	sst s0  }
0x18: {  	s0 =	sld [smem:$0x3F92];
	_ =	swait.ge [sflag:s4], $0x0  }
0x19: {  	s7 =	sld [smem:$0x3F93]  }
0x1a: {  	s8 =	sadd.s32 $0xFFFFE003, lr  }
0x1b: {  	s9 =	sadd.s32 $0xFFFFFEF7, lr;
	s5 =	simm.s32 $0xFFFFFFFF;
	p2 =	slt.u32 s8, $0xFFFFF086  }
0x1c: {  	p1 =	slt.u32 s9, $0xF7A;
	s5 =	simm.s32 @!p2 $0x0  }
0x1d: {  	s5 =	simm.s32 @p1 $0x1;
	p0 =	seq.s32 s7, s2  }
0x1e: {  	s7 =	smul.u32 @!p0 $0xF7A, s2;
	p2 =	seq.s32 @!p0 s5, $0x0  }
0x1f: {  	s9 =	smul.u32 $0xF7A, s1;
	s8 =	simm.s32 @!p0 $0x1BF5;
	p2 =	por !p2, p0  }
0x20: {  	[sflag:s8] =	ssyncset.s32 @!p0 $0xFFFFF086;
	s6 =	sadd.s32 @!p0 s3, s7;
	s7 =	simm.s32 @!p0 $0x108  }
0x21: {  	s3 =	sadd.s32 s3, s9;
	s6 =	sadd.s32 @!p0 $0x88, s6;
	s7 =	simm.s32 @p2 $0x1082  }
0x22: {  	[simem:s7], [sflag:s8] =	dma.local @!p0 [hbm:s6], $0xF7A  }
0x23: {  	s9 =	sor.u32 $0xD0000000, s2;
	s6 =	simm.s32 $0x108;
	_ =	swait.ge @!p0 [sflag:s8], $0x0  }
0x24: {  	s3 =	sadd.s32 $0x88, s3;
	s6 =	simm.s32 @!p1 $0x1082;
	[sflag:s4] =	ssyncset.s32 $0xFFFFF086  }
0x25: {  	[simem:s6], [sflag:s4] =	dma.local [hbm:s3], $0xF7A  }
0x26: {  	[smem:$0x3F93] =	sst s1;
	(tag) =	ssettag s2;
	_ =	strace s9  }
0x27: {  	s1 =	sld [smem:$0x3FA3]  }
0x28: {  	s2 =	sld [smem:$0x3FA4]  }
0x29: {  	s4 =	sld [smem:$0x3FA6]  }
0x2a: {  	p0 =	seq.s32 s5, $0x0;
	s5 =	sld [smem:$0x3FA7]  }
0x2b: {  	s6 =	sld [smem:$0x3FA8]  }
0x2c: {  	s7 =	sld [smem:$0x3FA9]  }
0x2d: {  	s3 =	simm.s32 $0x108;
	s8 =	sld [smem:$0x3FAA]  }
0x2e: {  	s3 =	simm.s32 @!p0 $0x1082;
	s9 =	sld [smem:$0x3FAB]  }
0x2f: {  	lr =	sadd.s32 s0, s3;
	s0 =	sld [smem:$0x3FA2]  }
0x30: {  	s3 =	sld [smem:$0x3FA5]  }
0x31: {  	[smem:$0x3FAE] =	sst s10  }
0x32: {  	s10 =	sld [smem:$0x3FAC];
	_ =	sdelay $0x3  }
0x33: {  	p0 =	seq.s32 s10, $0x1;
	s10 =	sld [smem:$0x3FAE];
	_ =	sdelay $0x3  }
0x34: {  	[smem:$0x3FAE] =	sst s10  }
0x35: {  	s10 =	sld [smem:$0x3FAD];
	_ =	sdelay $0x3  }
0x36: {  	p1 =	seq.s32 s10, $0x1;
	s10 =	sld [smem:$0x3FAE];
	_ =	sdelay $0x3  }
0x37: {  	[smem:$0x3FAE] =	sst s10  }
0x38: {  	s10 =	sld [smem:$0x3FAF]  }
0x39: {  	_ = 	snop;
	(pc) =	sbr.ind lr, $3  }
0x3a: {  	_ = 	snop  }
0x3b: {  	_ = 	snop  }
0x3c: {  	p2 =	seq.s32 s10, $0x1;
	s10 =	sld [smem:$0x3FAE]  }
0x3d: {  	_ =	shalt  }
0x3e: {  	_ =	shalt  }
0x3f: {  	_ =	shalt  }
0x40: {  	_ =	shalt  }
0x41: {  	_ =	shalt  }
0x42: {  	_ =	shalt  }
0x43: {  	_ =	shalt  }
0x44: {  	_ =	shalt  }
0x45: {  	_ =	shalt  }
0x46: {  	_ =	shalt  }
0x47: {  	_ =	shalt  }
0x48: {  	_ =	shalt  }
0x49: {  	_ =	shalt  }
0x4a: {  	_ =	shalt  }
0x4b: {  	_ =	shalt  }
0x4c: {  	_ =	shalt  }
0x4d: {  	_ =	shalt  }
0x4e: {  	_ =	shalt  }
0x4f: {  	_ =	shalt  }
0x50: {  	_ =	shalt  }
0x51: {  	_ =	shalt  }
0x52: {  	_ =	shalt  }
0x53: {  	_ =	shalt  }
0x54: {  	_ =	shalt  }
0x55: {  	_ =	shalt  }
0x56: {  	_ =	shalt  }
0x57: {  	_ =	shalt  }
0x58: {  	_ =	shalt  }
0x59: {  	_ =	shalt  }
0x5a: {  	_ =	shalt  }
0x5b: {  	_ =	shalt  }
0x5c: {  	_ =	shalt  }
0x5d: {  	_ =	shalt  }
0x5e: {  	_ =	shalt  }
0x5f: {  	_ =	shalt  }
0x60: {  	_ =	shalt  }
0x61: {  	_ =	shalt  }
0x62: {  	_ =	shalt  }
0x63: {  	_ =	shalt  }
0x64: {  	_ =	shalt  }
0x65: {  	_ =	shalt  }
0x66: {  	_ =	shalt  }
0x67: {  	_ =	shalt  }
0x68: {  	_ =	shalt  }
0x69: {  	_ =	shalt  }
0x6a: {  	_ =	shalt  }
0x6b: {  	_ =	shalt  }
0x6c: {  	_ =	shalt  }
0x6d: {  	_ =	shalt  }
0x6e: {  	_ =	shalt  }
0x6f: {  	_ =	shalt  }
0x70: {  	_ =	shalt  }
0x71: {  	_ =	shalt  }
0x72: {  	_ =	shalt  }
0x73: {  	_ =	shalt  }
0x74: {  	_ =	shalt  }
0x75: {  	_ =	shalt  }
0x76: {  	_ =	shalt  }
0x77: {  	_ =	shalt  }
0x78: {  	_ =	shalt  }
0x79: {  	_ =	shalt  }
0x7a: {  	_ =	shalt  }
0x7b: {  	_ =	shalt  }
0x7c: {  	_ =	shalt  }
0x7d: {  	_ =	shalt  }
0x7e: {  	_ =	shalt  }
0x7f: {  	_ =	shalt  }
0x80: {  	_ =	shalt  }
0x81: {  	_ =	shalt  }
0x82: {  	_ =	shalt  }
0x83: {  	_ =	shalt  }
0x84: {  	_ =	shalt  }
0x85: {  	_ =	shalt  }
0x86: {  	_ =	shalt  }
0x87: {  	_ =	shalt  }
.Lfunc_end0:
.L_simem_size_0:
called_computation_lowered:
.L_overlay_start_0:
0x88: {  	s2 =	sld [smem:$0x3FD9]  }
0x89: {  	s3 =	sld [smem:$0x3FFE];
	_ =	sdelay $0x1  }
0x8a: {  	s1 =	srdreg.scid  }
0x8b: {  	s0 =	sand.u32 $0x1, s1  }
0x8c: {  	s17 =	sshll.u32 s0, $0xA;
	s2 =	sadd.s32 s3, s2  }
0x8d: {  	s2 =	sadd.s32 s2, s17  }
0x8e: {  	[smem:$0x3FBA] =	sst s2  }
0x8f: {  	_ = 	snop  }
0x90: {  	s2 =	sld [smem:$0x3FC9]  }
0x91: {  	s18 =	sld [smem:$0x3FC8]  }
0x92: {  	s4 =	sld [smem:$0x3FC7]  }
0x93: {  	s5 =	sld [smem:$0x3FC6]  }
0x94: {  	s6 =	sld [smem:$0x3FC5]  }
0x95: {  	s7 =	sld [smem:$0x3FC4];
	(tm) =	ssettm $0x1  }
0x96: {  	s8 =	sld [smem:$0x3FFB];
	_ =	sdelay $0x3  }
0x97: {  	_ =	strace s8  }
0x98: {  	s8 =	sld [smem:$0x3FFC];
	_ =	sdelay $0x3  }
0x99: {  	_ =	strace s8  }
0x9a: {  	s8 =	sld [smem:$0x3FFD];
	_ =	sdelay $0x3  }
0x9b: {  	_ =	strace s8  }
0x9c: {  	_ =	strace $0x8FFFFFFF  }
0x9d: {  	s19 =	sld [smem:$0x3FDB];
	_ =	sdelay $0x1  }
0x9e: {  	s9 =	simm.s32 $_scs_section_size  }
0x9f: {  	s10 =	simm.s32 $_size__tile_overlayer_lowered;
	s11 =	simm.s32 $_tile_overlayer_lowered  }
0xa0: {  	s22 =	simm.s32 $0x1BFF;
	s21 =	sshll.u32 s11, $0x1;
	s8 =	sadd.s32 s9, s19  }
0xa1: {  	s12 =	simm.s32 $0x0;
	s20 =	sshll.u32 s10, $0x1;
	s10 =	sadd.s32 s21, s8  }
0xa2: {  	[timem:s12], [sflag:s22] =	dma.local [hbm:s10], s20  }
0xa3: {  	_ =	swait.ge [sflag:s22], s20  }
0xa4: {  	s9 =	ssub.s32 $0x0, s20;
	[sflag:s22] =	ssyncset.done $0x0  }
0xa5: {  	[sflag:s22] =	ssyncadd.s32 s9;
	_ =	sdelay $0x1  }
0xa6: {  	s23 =	simm.s32 $0x1B8B  }
0xa7: {  	_ =	swait.ge [sflag:s23], $0x1  }
0xa8: {  	[sflag:s23] =	ssyncset.done $0x0  }
0xa9: {  	s25 =	simm.s32 $0x1B8E;
	s24 =	sld [smem:$0x3FFE];
	[sflag:s23] =	ssyncadd.s32 $0xFFFFFFFF  }
0xaa: {  	s26 =	simm.s32 $execute0_lowered;
	[smem:$0x3FD2] =	sst s25  }
0xab: {  	s10 =	sshll.u32 s26, $0x1;
	_ =	strace $0x80000046;
	[dreg:$0x1] =	wrdreg $0xFFFFFFFF  }
0xac: {  	s28 =	simm.s32 $_size_execute0_lowered;
	s8 =	sadd.s32 s8, s10;
	[dreg:$0x0] =	wrdreg $0x0  }
0xad: {  	s10 =	sshll.u32 s28, $0x1;
	[dreg:$0x2] =	wrdreg s8  }
0xae: {  	[dreg:$0x3] =	wrdreg s10  }
0xaf: {  	[dreg:$0x4] =	wrdreg $0xC0  }
0xb0: {  	_ =	task [dreg:s12], $0x5FFFF  }
0xb1: {  	[dreg:$0x1] =	wrdreg $0xFFFFFFFF  }
0xb2: {  	[dreg:$0x0] =	wrdreg $0x60  }
0xb3: {  	[dreg:$0x2] =	wrdreg s2  }
0xb4: {  	[dreg:$0x3] =	wrdreg s18  }
0xb5: {  	[dreg:$0x4] =	wrdreg s4  }
0xb6: {  	[dreg:$0x5] =	wrdreg s5  }
0xb7: {  	[dreg:$0x6] =	wrdreg s6  }
0xb8: {  	[dreg:$0x7] =	wrdreg s7  }
0xb9: {  	[dreg:$0x8] =	wrdreg s24  }
0xba: {  	[dreg:$0x9] =	wrdreg $0x9  }
0xbb: {  	_ =	task.clear_ibuf [dreg:s12], $0xAFFFF;
	_ =	strace $0x90000046  }
0xbc: {  	s29 =	simm.s32 $0x9;
	_ =	strace $0x80000048  }
0xbd: {  	_ =	swait.ge [sflag:s29], $0x1  }
0xbe: {  	[sflag:s29] =	ssyncadd.s32 $0xFFFFFFFF  }
0xbf: {  	_ =	strace $0x90000048  }
0xc0: {  	_ =	sfence  }
0xc1: {  	s30 =	sld [smem:$0x0];
	_ =	sdelay $0x2  }
0xc2: {  	s31 =	sshll.u32 s1, $0xD;
	s1 =	sshrl.u32 s1, $0x2  }
0xc3: {  	s3 =	sand.u32 $0x4000, s31;
	s1 =	sadd.s32 s1, s30  }
0xc4: {  	s0 =	sor.u32 s3, s0;
	s1 =	sshll.u32 s1, $0x11  }
0xc5: {  	s0 =	sor.u32 s1, s0  }
0xc6: {  	s0 =	sadd.s32 $0x8F2B, s0  }
0xc7: {  	[sflag:s0] =	ssyncadd.remote.s32 $0x1  }
0xc8: {  	_ =	sfence.sel $0xFFFF  }
0xc9: {  	[dreg:$0x0] =	wrdreg $0xFFFFFFFF;
	(pc) =	sbr.abs _section_cstart, $3  }
0xca: {  	[dreg:$0x1] =	wrdreg $0xFFFFFFFF  }
0xcb: {  	_ =	task.clear_ibuf [dreg:s12], $0x2FFFF;
	_ =	strace $0x9FFFFFFF  }
0xcc: {  	(tm) =	ssettm $0x7FFFFFFF  }
0xcd: {  	_ =	shalt  }
tec
execute0_lowered:
.L_overlay_start_1:
0x0: {  	(tag) =	ssettag $0x1  }
0x1: {  	s7 =	rddreg [dreg:$0x0]  }
0x2: {  	s9 =	rddreg [dreg:$0x1]  }
0x3: {  	s1 =	rddreg [dreg:$0x2]  }
0x4: {  	s2 =	rddreg [dreg:$0x3]  }
0x5: {  	s4 =	rddreg [dreg:$0x4]  }
0x6: {  	s5 =	rddreg [dreg:$0x5]  }
0x7: {  	s3 =	srdreg.scid;
	s0 =	stileid.u32  }
0x8: {  	s23 =	rddreg [dreg:$0x6];
	s24 =	sand.u32 $0x1, s3;
	s8 =	sshll.u32 s0, $0x1  }
0x9: {  	s6 =	simm.s32 $0x0;
	s3 =	rddreg [dreg:$0x7];
	s15 =	sor.u32 s24, s8  }
0xa: {  	[smem:$0x7FF] =	sst s6;
	s10 =	sshll.u32 s15, $0x5  }
0xb: {  	_ =	strace $0x80000047;
	s8 =	sadd.s32 s7, s10;
	s7 =	simm.s32 $0x3  }
0xc: {  	[tilespmem:s6], [sflag:$0x3] =	stream.linear.gather [hbm4b:s8+s6], $0x100, $0x38;
	[tilespmem:$0x8200] =	vst v63  }
0xd: {  	_ =	swait.ge [sflag:s7], $0x100  }
0xe: {  	[sflag:s7] =	ssyncset.done $0x0  }
0xf: {  	s9 =	sadd.s32 s9, s10;
	s10 =	simm.s32 $0x100;
	[sflag:s7] =	ssyncadd.s32 $0xFFFFFF00  }
0x10: {  	[tilespmem:s10], [sflag:$0x3] =	stream.linear.gather [hbm4b:s9+s6], $0x100, $0x38;
	[tilespmem:$0x8200] =	vst v63  }
0x11: {  	_ =	swait.ge [sflag:s7], $0x100  }
0x12: {  	[sflag:s7] =	ssyncset.done $0x0  }
0x13: {  	s11 =	simm.s32 $0x80;
	s12 =	simm.s32 $0x200;
	[sflag:s7] =	ssyncadd.s32 $0xFFFFFF00  }
0x14: {  	[tilespmem:s12], [sflag:$0x1] =	stream.indirect.gather [hbm4b:s1+s11], $0x80, s6, s11, $0xb8;
	[tilespmem:$0x8200] =	vst v63  }
0x15: {  	s13 =	simm.s32 $0x4200;
	s14 =	simm.s32 $0x1  }
0x16: {  	[tilespmem:s13], [sflag:$0x2] =	stream.indirect.gather [hbm4b:s1+s11], $0x80, s11, s11, $0xb8;
	[tilespmem:$0x8200] =	vst v63  }
0x17: {  	_ =	swait.ge [sflag:s14], $0x4000  }
0x18: {  	s17 =	sadd.s32 $0x3000, s23;
	s25 =	sshll.u32 s15, $0xC;
	[sflag:s14] =	ssyncset.done $0x0  }
0x19: {  	s15 =	sadd.s32 s17, s25;
	[sflag:s14] =	ssyncadd.s32 $0xFFFFC000  }
0x1a: {  	[hbm4b:s15+s6] =	stream.linear.scatter [tilespmem:s12], [sflag:$0x3], $0x4000, $0x38;
	[tilespmem:$0x8200] =	vst v63  }
0x1b: {  	_ =	swait.ge [sflag:s7], $0x4000  }
0x1c: {  	[sflag:s7] =	ssyncset.done $0x0  }
0x1d: {  	s16 =	simm.s32 $0x2;
	[sflag:s7] =	ssyncadd.s32 $0xFFFFC000  }
0x1e: {  	[tilespmem:s12], [sflag:$0x1] =	stream.indirect.gather [hbm4b:s2+s11], $0x80, s10, s11, $0xb8;
	[tilespmem:$0x8200] =	vst v63  }
0x1f: {  	_ =	swait.ge [sflag:s16], $0x4000  }
0x20: {  	s26 =	sor.u32 $0x800, s25;
	[sflag:s16] =	ssyncset.done $0x0  }
0x21: {  	s17 =	sadd.s32 s17, s26;
	[sflag:s16] =	ssyncadd.s32 $0xFFFFC000  }
0x22: {  	[hbm4b:s17+s6] =	stream.linear.scatter [tilespmem:s13], [sflag:$0x3], $0x4000, $0x38;
	[tilespmem:$0x8200] =	vst v63  }
0x23: {  	_ =	swait.ge [sflag:s7], $0x4000  }
0x24: {  	[sflag:s7] =	ssyncset.done $0x0  }
0x25: {  	s18 =	simm.s32 $0x180;
	[sflag:s7] =	ssyncadd.s32 $0xFFFFC000  }
0x26: {  	[tilespmem:s13], [sflag:$0x2] =	stream.indirect.gather [hbm4b:s2+s11], $0x80, s18, s11, $0xb8;
	[tilespmem:$0x8200] =	vst v63  }
0x27: {  	_ =	swait.ge [sflag:s14], $0x4000  }
0x28: {  	s20 =	sadd.s32 $0x23000, s23;
	[sflag:s14] =	ssyncset.done $0x0  }
0x29: {  	s19 =	sadd.s32 s20, s25;
	[sflag:s14] =	ssyncadd.s32 $0xFFFFC000  }
0x2a: {  	[hbm4b:s19+s6] =	stream.linear.scatter [tilespmem:s12], [sflag:$0x3], $0x4000, $0x38;
	[tilespmem:$0x8200] =	vst v63  }
0x2b: {  	_ =	swait.ge [sflag:s7], $0x4000  }
0x2c: {  	[sflag:s7] =	ssyncset.done $0x0  }
0x2d: {  	[sflag:s7] =	ssyncadd.s32 $0xFFFFC000  }
0x2e: {  	[tilespmem:s12], [sflag:$0x1] =	stream.indirect.gather [hbm4b:s4+s11], $0x80, s6, s11, $0xb8;
	[tilespmem:$0x8200] =	vst v63  }
0x2f: {  	_ =	swait.ge [sflag:s16], $0x4000  }
0x30: {  	[sflag:s16] =	ssyncset.done $0x0  }
0x31: {  	s20 =	sadd.s32 s20, s26;
	[sflag:s16] =	ssyncadd.s32 $0xFFFFC000  }
0x32: {  	[hbm4b:s20+s6] =	stream.linear.scatter [tilespmem:s13], [sflag:$0x3], $0x4000, $0x38;
	[tilespmem:$0x8200] =	vst v63  }
0x33: {  	_ =	swait.ge [sflag:s7], $0x4000  }
0x34: {  	[sflag:s7] =	ssyncset.done $0x0  }
0x35: {  	[sflag:s7] =	ssyncadd.s32 $0xFFFFC000  }
0x36: {  	[tilespmem:s13], [sflag:$0x2] =	stream.indirect.gather [hbm4b:s4+s11], $0x80, s11, s11, $0xb8;
	[tilespmem:$0x8200] =	vst v63  }
0x37: {  	_ =	swait.ge [sflag:s14], $0x4000  }
0x38: {  	s22 =	sadd.s32 $0x43000, s23;
	[sflag:s14] =	ssyncset.done $0x0  }
0x39: {  	s21 =	sadd.s32 s22, s25;
	[sflag:s14] =	ssyncadd.s32 $0xFFFFC000  }
0x3a: {  	[hbm4b:s21+s6] =	stream.linear.scatter [tilespmem:s12], [sflag:$0x3], $0x4000, $0x38;
	[tilespmem:$0x8200] =	vst v63  }
0x3b: {  	_ =	swait.ge [sflag:s7], $0x4000  }
0x3c: {  	[sflag:s7] =	ssyncset.done $0x0  }
0x3d: {  	[sflag:s7] =	ssyncadd.s32 $0xFFFFC000  }
0x3e: {  	[tilespmem:s12], [sflag:$0x1] =	stream.indirect.gather [hbm4b:s5+s11], $0x80, s10, s11, $0xb8;
	[tilespmem:$0x8200] =	vst v63  }
0x3f: {  	_ =	swait.ge [sflag:s16], $0x4000  }
0x40: {  	[sflag:s16] =	ssyncset.done $0x0  }
0x41: {  	s22 =	sadd.s32 s22, s26;
	[sflag:s16] =	ssyncadd.s32 $0xFFFFC000  }
0x42: {  	[hbm4b:s22+s6] =	stream.linear.scatter [tilespmem:s13], [sflag:$0x3], $0x4000, $0x38;
	[tilespmem:$0x8200] =	vst v63  }
0x43: {  	_ =	swait.ge [sflag:s7], $0x4000  }
0x44: {  	[sflag:s7] =	ssyncset.done $0x0  }
0x45: {  	[sflag:s7] =	ssyncadd.s32 $0xFFFFC000  }
0x46: {  	[tilespmem:s13], [sflag:$0x2] =	stream.indirect.gather [hbm4b:s5+s11], $0x80, s18, s11, $0xb8;
	[tilespmem:$0x8200] =	vst v63  }
0x47: {  	_ =	swait.ge [sflag:s14], $0x4000  }
0x48: {  	s28 =	sadd.s32 $0x63000, s23;
	[sflag:s14] =	ssyncset.done $0x0  }
0x49: {  	s24 =	ssub.s32 $0x2, s24;
	s23 =	sadd.s32 s28, s25;
	[sflag:s14] =	ssyncadd.s32 $0xFFFFC000  }
0x4a: {  	[hbm4b:s23+s6] =	stream.linear.scatter [tilespmem:s12], [sflag:$0x3], $0x4000, $0x38;
	[tilespmem:$0x8200] =	vst v63  }
0x4b: {  	s31 =	sshrl.u32 s24, $0x1;
	_ =	swait.ge [sflag:s7], $0x4000  }
0x4c: {  	s25 =	ssub.s32 s24, s31;
	[sflag:s7] =	ssyncset.done $0x0  }
0x4d: {  	s25 =	smax.u32 s25, $0x1;
	[sflag:s7] =	ssyncadd.s32 $0xFFFFC000  }
0x4e: {  	p0 =	sne.s32 s25, $0x1;
	_ =	swait.ge [sflag:s16], $0x4000  }
.Ltmp0:
0x4f: {  	[sflag:s16] =	ssyncset.done $0x0;
	(pc) =	sbr.rel @!p0 .LBB2_2-.Ltmp0, $4  }
0x50: {  	s24 =	sadd.s32 s28, s26;
	[sflag:s16] =	ssyncadd.s32 $0xFFFFC000  }
0x51: {  	[hbm4b:s24+s6] =	stream.linear.scatter [tilespmem:s13], [sflag:$0x3], $0x4000, $0x38;
	[tilespmem:$0x8200] =	vst v63  }
0x52: {  	_ =	swait.ge [sflag:s7], $0x4000  }
0x53: {  	s25 =	sadd.s32 $0xFFFFFFFF, s25;
	[sflag:s7] =	ssyncset.done $0x0  }
.LBB2_1:
0x54: {  	p0 =	sne.s32 s25, $0x1;
	s25 =	sadd.s32 $0xFFFFFFFF, s25;
	[sflag:s7] =	ssyncadd.s32 $0xFFFFC000  }
0x55: {  	[tilespmem:s6], [sflag:$0x3] =	stream.linear.gather [hbm4b:s8+s6], $0x100, $0x38;
	[tilespmem:$0x8200] =	vst v63  }
0x56: {  	_ =	swait.ge [sflag:s7], $0x100  }
0x57: {  	[sflag:s7] =	ssyncset.done $0x0  }
0x58: {  	[sflag:s7] =	ssyncadd.s32 $0xFFFFFF00  }
0x59: {  	[tilespmem:s10], [sflag:$0x3] =	stream.linear.gather [hbm4b:s9+s6], $0x100, $0x38;
	[tilespmem:$0x8200] =	vst v63  }
0x5a: {  	_ =	swait.ge [sflag:s7], $0x100  }
0x5b: {  	[sflag:s7] =	ssyncset.done $0x0  }
0x5c: {  	[sflag:s7] =	ssyncadd.s32 $0xFFFFFF00  }
0x5d: {  	[tilespmem:s12], [sflag:$0x1] =	stream.indirect.gather [hbm4b:s1+s11], $0x80, s6, s11, $0xb8;
	[tilespmem:$0x8200] =	vst v63  }
0x5e: {  	_ = 	snop  }
0x5f: {  	[tilespmem:s13], [sflag:$0x2] =	stream.indirect.gather [hbm4b:s1+s11], $0x80, s11, s11, $0xb8;
	[tilespmem:$0x8200] =	vst v63  }
0x60: {  	_ =	swait.ge [sflag:s14], $0x4000  }
0x61: {  	[sflag:s14] =	ssyncset.done $0x0  }
0x62: {  	[sflag:s14] =	ssyncadd.s32 $0xFFFFC000  }
0x63: {  	[hbm4b:s15+s6] =	stream.linear.scatter [tilespmem:s12], [sflag:$0x3], $0x4000, $0x38;
	[tilespmem:$0x8200] =	vst v63  }
0x64: {  	_ =	swait.ge [sflag:s7], $0x4000  }
0x65: {  	[sflag:s7] =	ssyncset.done $0x0  }
0x66: {  	[sflag:s7] =	ssyncadd.s32 $0xFFFFC000  }
0x67: {  	[tilespmem:s12], [sflag:$0x1] =	stream.indirect.gather [hbm4b:s2+s11], $0x80, s10, s11, $0xb8;
	[tilespmem:$0x8200] =	vst v63  }
0x68: {  	_ =	swait.ge [sflag:s16], $0x4000  }
0x69: {  	[sflag:s16] =	ssyncset.done $0x0  }
0x6a: {  	[sflag:s16] =	ssyncadd.s32 $0xFFFFC000  }
0x6b: {  	[hbm4b:s17+s6] =	stream.linear.scatter [tilespmem:s13], [sflag:$0x3], $0x4000, $0x38;
	[tilespmem:$0x8200] =	vst v63  }
0x6c: {  	_ =	swait.ge [sflag:s7], $0x4000  }
0x6d: {  	[sflag:s7] =	ssyncset.done $0x0  }
0x6e: {  	[sflag:s7] =	ssyncadd.s32 $0xFFFFC000  }
0x6f: {  	[tilespmem:s13], [sflag:$0x2] =	stream.indirect.gather [hbm4b:s2+s11], $0x80, s18, s11, $0xb8;
	[tilespmem:$0x8200] =	vst v63  }
0x70: {  	_ =	swait.ge [sflag:s14], $0x4000  }
0x71: {  	[sflag:s14] =	ssyncset.done $0x0  }
0x72: {  	[sflag:s14] =	ssyncadd.s32 $0xFFFFC000  }
0x73: {  	[hbm4b:s19+s6] =	stream.linear.scatter [tilespmem:s12], [sflag:$0x3], $0x4000, $0x38;
	[tilespmem:$0x8200] =	vst v63  }
0x74: {  	_ =	swait.ge [sflag:s7], $0x4000  }
0x75: {  	[sflag:s7] =	ssyncset.done $0x0  }
0x76: {  	[sflag:s7] =	ssyncadd.s32 $0xFFFFC000  }
0x77: {  	[tilespmem:s12], [sflag:$0x1] =	stream.indirect.gather [hbm4b:s4+s11], $0x80, s6, s11, $0xb8;
	[tilespmem:$0x8200] =	vst v63  }
0x78: {  	_ =	swait.ge [sflag:s16], $0x4000  }
0x79: {  	[sflag:s16] =	ssyncset.done $0x0  }
0x7a: {  	[sflag:s16] =	ssyncadd.s32 $0xFFFFC000  }
0x7b: {  	[hbm4b:s20+s6] =	stream.linear.scatter [tilespmem:s13], [sflag:$0x3], $0x4000, $0x38;
	[tilespmem:$0x8200] =	vst v63  }
0x7c: {  	_ =	swait.ge [sflag:s7], $0x4000  }
0x7d: {  	[sflag:s7] =	ssyncset.done $0x0  }
0x7e: {  	[sflag:s7] =	ssyncadd.s32 $0xFFFFC000  }
0x7f: {  	[tilespmem:s13], [sflag:$0x2] =	stream.indirect.gather [hbm4b:s4+s11], $0x80, s11, s11, $0xb8;
	[tilespmem:$0x8200] =	vst v63  }
0x80: {  	_ =	swait.ge [sflag:s14], $0x4000  }
0x81: {  	[sflag:s14] =	ssyncset.done $0x0  }
0x82: {  	[sflag:s14] =	ssyncadd.s32 $0xFFFFC000  }
0x83: {  	[hbm4b:s21+s6] =	stream.linear.scatter [tilespmem:s12], [sflag:$0x3], $0x4000, $0x38;
	[tilespmem:$0x8200] =	vst v63  }
0x84: {  	_ =	swait.ge [sflag:s7], $0x4000  }
0x85: {  	[sflag:s7] =	ssyncset.done $0x0  }
0x86: {  	[sflag:s7] =	ssyncadd.s32 $0xFFFFC000  }
0x87: {  	[tilespmem:s12], [sflag:$0x1] =	stream.indirect.gather [hbm4b:s5+s11], $0x80, s10, s11, $0xb8;
	[tilespmem:$0x8200] =	vst v63  }
0x88: {  	_ =	swait.ge [sflag:s16], $0x4000  }
0x89: {  	[sflag:s16] =	ssyncset.done $0x0  }
0x8a: {  	[sflag:s16] =	ssyncadd.s32 $0xFFFFC000  }
0x8b: {  	[hbm4b:s22+s6] =	stream.linear.scatter [tilespmem:s13], [sflag:$0x3], $0x4000, $0x38;
	[tilespmem:$0x8200] =	vst v63  }
0x8c: {  	_ =	swait.ge [sflag:s7], $0x4000  }
0x8d: {  	[sflag:s7] =	ssyncset.done $0x0  }
0x8e: {  	[sflag:s7] =	ssyncadd.s32 $0xFFFFC000  }
0x8f: {  	[tilespmem:s13], [sflag:$0x2] =	stream.indirect.gather [hbm4b:s5+s11], $0x80, s18, s11, $0xb8;
	[tilespmem:$0x8200] =	vst v63  }
0x90: {  	_ =	swait.ge [sflag:s14], $0x4000  }
0x91: {  	[sflag:s14] =	ssyncset.done $0x0  }
0x92: {  	[sflag:s14] =	ssyncadd.s32 $0xFFFFC000  }
0x93: {  	[hbm4b:s23+s6] =	stream.linear.scatter [tilespmem:s12], [sflag:$0x3], $0x4000, $0x38;
	[tilespmem:$0x8200] =	vst v63  }
0x94: {  	_ =	swait.ge [sflag:s7], $0x4000  }
0x95: {  	[sflag:s7] =	ssyncset.done $0x0  }
0x96: {  	[sflag:s7] =	ssyncadd.s32 $0xFFFFC000  }
0x97: {  	_ =	swait.ge [sflag:s16], $0x4000  }
.Ltmp1:
0x98: {  	[sflag:s16] =	ssyncset.done $0x0;
	(pc) =	sbr.rel @p0 .LBB2_1-.Ltmp1, $4  }
0x99: {  	[sflag:s16] =	ssyncadd.s32 $0xFFFFC000  }
0x9a: {  	[hbm4b:s24+s6] =	stream.linear.scatter [tilespmem:s13], [sflag:$0x3], $0x4000, $0x38;
	[tilespmem:$0x8200] =	vst v63  }
0x9b: {  	_ =	swait.ge [sflag:s7], $0x4000  }
0x9c: {  	[sflag:s7] =	ssyncset.done $0x0  }
.LBB2_2:
0x9d: {  	[sflag:s7] =	ssyncadd.s32 $0xFFFFC000  }
0x9e: {  	_ =	sfence.sel $0x180000  }
0x9f: {  	[bflag:$0x0] =	sbarrier.arrive $0xFFFF  }
0xa0: {  	p0 =	sne.s32 s0, $0x0;
	_ =	strace $0x90000047  }
0xa1: {  	s0 =	sadd.s32 @!p0 $0x100000, s3;
	[bflag:$0x2] =	sbarrier.arrive $0xFFFF  }
0xa2: {  	[sflag:s0] =	ssyncadd.tile.s32 @!p0 $0x1;
	_ =	shalt  }
.Lfunc_end2:
_tile_overlayer_lowered:
.L_overlay_start_2:
0xa3: {  	(tag) =	ssettag $0x2  }
0xa4: {  	s0 =	rddreg [dreg:$0x0];
	s2 =	stileid.u32  }
0xa5: {  	s1 =	rddreg [dreg:$0x1];
	p0 =	sne.s32 s2, $0x0  }
0xa6: {  	s3 =	rddreg [dreg:$0x2];
	[bflag:$0x3] =	sbarrier.arrive $0xFFFF;
	s2 =	simm.s32 @!p0 $0x1C03  }
0xa7: {  	[timem:s3], [sflag:s2] =	dma.local @!p0 [hbm:s0], s1  }
0xa8: {  	s0 =	simm.s32 @!p0 $0x3  }
0xa9: {  	_ =	swait.ge @!p0 [sflag:s0], s1  }
0xaa: {  	s1 =	ssub.s32 @!p0 $0x0, s1;
	[sflag:s0] =	ssyncset.done @!p0 $0x0  }
0xab: {  	[sflag:s0] =	ssyncadd.s32 @!p0 s1  }
0xac: {  	[bflag:$0x3] =	sbarrier.arrive $0xFFFF  }
0xad: {  	_ =	shalt  }

// kernel: kernel.9.cloned.1.call-start
scs
__scs_entry_jumppad:
0x0: {  	(pc) =	sbr.rel $0x88, $3  }
0x1: {  	(tag) =	ssettag $0x0;
	lr =	simm.s32 $0x1  }
0x2: {  	[smem:$0x3F93] =	sst lr;
	_ =	strace $0xD0000000  }
0x3: {  	_ = 	snop  }
0x4: {  	_ = 	snop  }
0x5: {  	_ = 	snop  }
0x6: {  	_ = 	snop  }
0x7: {  	_ = 	snop  }
__scs_overlays_trampoline_lowered:
0x8: {  	[smem:$0x3FA2] =	sst s0  }
0x9: {  	[smem:$0x3FA3] =	sst s1  }
0xa: {  	[smem:$0x3FA4] =	sst s2  }
0xb: {  	[smem:$0x3FA5] =	sst s3  }
0xc: {  	[smem:$0x3FA6] =	sst s4  }
0xd: {  	[smem:$0x3FA7] =	sst s5  }
0xe: {  	[smem:$0x3FA8] =	sst s6  }
0xf: {  	[smem:$0x3FA9] =	sst s7  }
0x10: {  	[smem:$0x3FAA] =	sst s8  }
0x11: {  	[smem:$0x3FAB] =	sst s9;
	s0 =	simm.s32 @!p0 $0x0  }
0x12: {  	s1 =	sld [smem:$0x3F91];
	s0 =	simm.s32 @p0 $0x1  }
0x13: {  	[smem:$0x3FAC] =	sst s0;
	s0 =	simm.s32 @!p1 $0x0  }
0x14: {  	s2 =	sld [smem:$0x3F90];
	s0 =	simm.s32 @p1 $0x1  }
0x15: {  	[smem:$0x3FAD] =	sst s0;
	s0 =	simm.s32 @!p2 $0x0  }
0x16: {  	s3 =	sld [smem:$0x3FDB];
	s0 =	simm.s32 @p2 $0x1  }
0x17: {  	s4 =	simm.s32 $0x1BF5;
	[smem:$0x3FAF] =	sst s0  }
0x18: {  	s0 =	sld [smem:$0x3F92];
	_ =	swait.ge [sflag:s4], $0x0  }
0x19: {  	s7 =	sld [smem:$0x3F93]  }
0x1a: {  	s8 =	sadd.s32 $0xFFFFE003, lr  }
0x1b: {  	s9 =	sadd.s32 $0xFFFFFEF7, lr;
	s5 =	simm.s32 $0xFFFFFFFF;
	p2 =	slt.u32 s8, $0xFFFFF086  }
0x1c: {  	p1 =	slt.u32 s9, $0xF7A;
	s5 =	simm.s32 @!p2 $0x0  }
0x1d: {  	s5 =	simm.s32 @p1 $0x1;
	p0 =	seq.s32 s7, s2  }
0x1e: {  	s7 =	smul.u32 @!p0 $0xF7A, s2;
	p2 =	seq.s32 @!p0 s5, $0x0  }
0x1f: {  	s9 =	smul.u32 $0xF7A, s1;
	s8 =	simm.s32 @!p0 $0x1BF5;
	p2 =	por !p2, p0  }
0x20: {  	[sflag:s8] =	ssyncset.s32 @!p0 $0xFFFFF086;
	s6 =	sadd.s32 @!p0 s3, s7;
	s7 =	simm.s32 @!p0 $0x108  }
0x21: {  	s3 =	sadd.s32 s3, s9;
	s6 =	sadd.s32 @!p0 $0x88, s6;
	s7 =	simm.s32 @p2 $0x1082  }
0x22: {  	[simem:s7], [sflag:s8] =	dma.local @!p0 [hbm:s6], $0xF7A  }
0x23: {  	s9 =	sor.u32 $0xD0000000, s2;
	s6 =	simm.s32 $0x108;
	_ =	swait.ge @!p0 [sflag:s8], $0x0  }
0x24: {  	s3 =	sadd.s32 $0x88, s3;
	s6 =	simm.s32 @!p1 $0x1082;
	[sflag:s4] =	ssyncset.s32 $0xFFFFF086  }
0x25: {  	[simem:s6], [sflag:s4] =	dma.local [hbm:s3], $0xF7A  }
0x26: {  	[smem:$0x3F93] =	sst s1;
	(tag) =	ssettag s2;
	_ =	strace s9  }
0x27: {  	s1 =	sld [smem:$0x3FA3]  }
0x28: {  	s2 =	sld [smem:$0x3FA4]  }
0x29: {  	s4 =	sld [smem:$0x3FA6]  }
0x2a: {  	p0 =	seq.s32 s5, $0x0;
	s5 =	sld [smem:$0x3FA7]  }
0x2b: {  	s6 =	sld [smem:$0x3FA8]  }
0x2c: {  	s7 =	sld [smem:$0x3FA9]  }
0x2d: {  	s3 =	simm.s32 $0x108;
	s8 =	sld [smem:$0x3FAA]  }
0x2e: {  	s3 =	simm.s32 @!p0 $0x1082;
	s9 =	sld [smem:$0x3FAB]  }
0x2f: {  	lr =	sadd.s32 s0, s3;
	s0 =	sld [smem:$0x3FA2]  }
0x30: {  	s3 =	sld [smem:$0x3FA5]  }
0x31: {  	[smem:$0x3FAE] =	sst s10  }
0x32: {  	s10 =	sld [smem:$0x3FAC];
	_ =	sdelay $0x3  }
0x33: {  	p0 =	seq.s32 s10, $0x1;
	s10 =	sld [smem:$0x3FAE];
	_ =	sdelay $0x3  }
0x34: {  	[smem:$0x3FAE] =	sst s10  }
0x35: {  	s10 =	sld [smem:$0x3FAD];
	_ =	sdelay $0x3  }
0x36: {  	p1 =	seq.s32 s10, $0x1;
	s10 =	sld [smem:$0x3FAE];
	_ =	sdelay $0x3  }
0x37: {  	[smem:$0x3FAE] =	sst s10  }
0x38: {  	s10 =	sld [smem:$0x3FAF]  }
0x39: {  	_ = 	snop;
	(pc) =	sbr.ind lr, $3  }
0x3a: {  	_ = 	snop  }
0x3b: {  	_ = 	snop  }
0x3c: {  	p2 =	seq.s32 s10, $0x1;
	s10 =	sld [smem:$0x3FAE]  }
0x3d: {  	_ =	shalt  }
0x3e: {  	_ =	shalt  }
0x3f: {  	_ =	shalt  }
0x40: {  	_ =	shalt  }
0x41: {  	_ =	shalt  }
0x42: {  	_ =	shalt  }
0x43: {  	_ =	shalt  }
0x44: {  	_ =	shalt  }
0x45: {  	_ =	shalt  }
0x46: {  	_ =	shalt  }
0x47: {  	_ =	shalt  }
0x48: {  	_ =	shalt  }
0x49: {  	_ =	shalt  }
0x4a: {  	_ =	shalt  }
0x4b: {  	_ =	shalt  }
0x4c: {  	_ =	shalt  }
0x4d: {  	_ =	shalt  }
0x4e: {  	_ =	shalt  }
0x4f: {  	_ =	shalt  }
0x50: {  	_ =	shalt  }
0x51: {  	_ =	shalt  }
0x52: {  	_ =	shalt  }
0x53: {  	_ =	shalt  }
0x54: {  	_ =	shalt  }
0x55: {  	_ =	shalt  }
0x56: {  	_ =	shalt  }
0x57: {  	_ =	shalt  }
0x58: {  	_ =	shalt  }
0x59: {  	_ =	shalt  }
0x5a: {  	_ =	shalt  }
0x5b: {  	_ =	shalt  }
0x5c: {  	_ =	shalt  }
0x5d: {  	_ =	shalt  }
0x5e: {  	_ =	shalt  }
0x5f: {  	_ =	shalt  }
0x60: {  	_ =	shalt  }
0x61: {  	_ =	shalt  }
0x62: {  	_ =	shalt  }
0x63: {  	_ =	shalt  }
0x64: {  	_ =	shalt  }
0x65: {  	_ =	shalt  }
0x66: {  	_ =	shalt  }
0x67: {  	_ =	shalt  }
0x68: {  	_ =	shalt  }
0x69: {  	_ =	shalt  }
0x6a: {  	_ =	shalt  }
0x6b: {  	_ =	shalt  }
0x6c: {  	_ =	shalt  }
0x6d: {  	_ =	shalt  }
0x6e: {  	_ =	shalt  }
0x6f: {  	_ =	shalt  }
0x70: {  	_ =	shalt  }
0x71: {  	_ =	shalt  }
0x72: {  	_ =	shalt  }
0x73: {  	_ =	shalt  }
0x74: {  	_ =	shalt  }
0x75: {  	_ =	shalt  }
0x76: {  	_ =	shalt  }
0x77: {  	_ =	shalt  }
0x78: {  	_ =	shalt  }
0x79: {  	_ =	shalt  }
0x7a: {  	_ =	shalt  }
0x7b: {  	_ =	shalt  }
0x7c: {  	_ =	shalt  }
0x7d: {  	_ =	shalt  }
0x7e: {  	_ =	shalt  }
0x7f: {  	_ =	shalt  }
0x80: {  	_ =	shalt  }
0x81: {  	_ =	shalt  }
0x82: {  	_ =	shalt  }
0x83: {  	_ =	shalt  }
0x84: {  	_ =	shalt  }
0x85: {  	_ =	shalt  }
0x86: {  	_ =	shalt  }
0x87: {  	_ =	shalt  }
.Lfunc_end0:
.L_simem_size_0:
called_computation.1_lowered:
.L_overlay_start_0:
0x88: {  	s2 =	sld [smem:$0x3FD9]  }
0x89: {  	s3 =	sld [smem:$0x3FFE];
	_ =	sdelay $0x1  }
0x8a: {  	s1 =	srdreg.scid  }
0x8b: {  	s0 =	sand.u32 $0x1, s1  }
0x8c: {  	s17 =	sshll.u32 s0, $0xA;
	s2 =	sadd.s32 s3, s2  }
0x8d: {  	s2 =	sadd.s32 s2, s17  }
0x8e: {  	[smem:$0x3FBA] =	sst s2  }
0x8f: {  	_ = 	snop  }
0x90: {  	s18 =	sld [smem:$0x3FC9]  }
0x91: {  	s4 =	sld [smem:$0x3FC8]  }
0x92: {  	s5 =	sld [smem:$0x3FC7]  }
0x93: {  	s6 =	sld [smem:$0x3FC6]  }
0x94: {  	s7 =	sld [smem:$0x3FC5]  }
0x95: {  	s8 =	sld [smem:$0x3FC4];
	(tm) =	ssettm $0x1  }
0x96: {  	s19 =	sld [smem:$0x3FFB];
	_ =	sdelay $0x3  }
0x97: {  	_ =	strace s19  }
0x98: {  	s2 =	sld [smem:$0x3FFC];
	_ =	sdelay $0x3  }
0x99: {  	_ =	strace s2  }
0x9a: {  	s2 =	sld [smem:$0x3FFD];
	_ =	sdelay $0x3  }
0x9b: {  	_ =	strace s2  }
0x9c: {  	_ =	strace $0x8FFFFFFF  }
0x9d: {  	s20 =	sld [smem:$0x3FDB];
	_ =	sdelay $0x1  }
0x9e: {  	s9 =	simm.s32 $_scs_section_size  }
0x9f: {  	s10 =	simm.s32 $_size__tile_overlayer_lowered;
	s11 =	simm.s32 $_tile_overlayer_lowered  }
0xa0: {  	s12 =	simm.s32 $0x1BFF;
	s21 =	sshll.u32 s11, $0x1;
	s9 =	sadd.s32 s9, s20  }
0xa1: {  	s22 =	simm.s32 $0x0;
	s10 =	sshll.u32 s10, $0x1;
	s11 =	sadd.s32 s21, s9  }
0xa2: {  	[timem:s22], [sflag:s12] =	dma.local [hbm:s11], s10  }
0xa3: {  	_ =	swait.ge [sflag:s12], s10  }
0xa4: {  	s10 =	ssub.s32 $0x0, s10;
	[sflag:s12] =	ssyncset.done $0x0  }
0xa5: {  	[sflag:s12] =	ssyncadd.s32 s10;
	_ =	sdelay $0x1  }
0xa6: {  	s23 =	simm.s32 $0x1B8B  }
0xa7: {  	_ =	swait.ge [sflag:s23], $0x1  }
0xa8: {  	[sflag:s23] =	ssyncset.done $0x0  }
0xa9: {  	[sflag:s23] =	ssyncadd.s32 $0xFFFFFFFF  }
0xaa: {  	s10 =	sld [smem:$0x0]  }
0xab: {  	s11 =	sand.u32 $0xFFFFFFFE, s1  }
0xac: {  	p0 =	sne.s32 s1, s11  }
0xad: {  	s11 =	sshll.u32 @p0 s11, $0xE  }
0xae: {  	s11 =	sadd.s32 @p0 $0x11B8D, s11;
	s12 =	sshll.u32 @p0 s10, $0x11  }
0xaf: {  	s11 =	sor.u32 @p0 s12, s11  }
0xb0: {  	[sflag:s11] =	ssyncadd.remote.s32 @p0 $0x1;
	_ =	sdelay $0x1  }
0xb1: {  	s11 =	simm.s32 @p0 $0x1B8D  }
0xb2: {  	_ =	swait.eq @p0 [sflag:s11], $0x1  }
0xb3: {  	[sflag:s11] =	ssyncadd.s32 @p0 $0xFFFFFFFF  }
0xb4: {  	s12 =	sshll.u32 @!p0 s1, $0xE  }
0xb5: {  	s12 =	sor.u32 @!p0 $0x4000, s12;
	s11 =	simm.s32 @!p0 $0x1B8D  }
0xb6: {  	s10 =	sshll.u32 @!p0 s10, $0x11;
	s12 =	sadd.s32 @!p0 $0x11B8D, s12;
	_ =	swait.eq @!p0 [sflag:s11], $0x1  }
0xb7: {  	s10 =	sor.u32 @!p0 s10, s12;
	[sflag:s11] =	ssyncadd.s32 @!p0 $0xFFFFFFFF  }
0xb8: {  	s25 =	simm.s32 $0x1B8E;
	s24 =	sld [smem:$0x3FFE];
	[sflag:s10] =	ssyncadd.remote.s32 @!p0 $0x1  }
0xb9: {  	s26 =	simm.s32 $execute0_lowered;
	[smem:$0x3FD2] =	sst s25  }
0xba: {  	s11 =	sshll.u32 s26, $0x1;
	_ =	strace $0x80000049;
	[dreg:$0x1] =	wrdreg $0xFFFFFFFF  }
0xbb: {  	s28 =	simm.s32 $_size_execute0_lowered;
	s9 =	sadd.s32 s9, s11;
	[dreg:$0x0] =	wrdreg $0x0  }
0xbc: {  	s11 =	sshll.u32 s28, $0x1;
	[dreg:$0x2] =	wrdreg s9  }
0xbd: {  	[dreg:$0x3] =	wrdreg s11  }
0xbe: {  	[dreg:$0x4] =	wrdreg $0xC0  }
0xbf: {  	_ =	task [dreg:s22], $0x5FFFF  }
0xc0: {  	[dreg:$0x1] =	wrdreg $0xFFFFFFFF  }
0xc1: {  	[dreg:$0x0] =	wrdreg $0x60  }
0xc2: {  	[dreg:$0x2] =	wrdreg s18  }
0xc3: {  	[dreg:$0x3] =	wrdreg s4  }
0xc4: {  	[dreg:$0x4] =	wrdreg s5  }
0xc5: {  	[dreg:$0x5] =	wrdreg s6  }
0xc6: {  	[dreg:$0x6] =	wrdreg s7  }
0xc7: {  	[dreg:$0x7] =	wrdreg s8  }
0xc8: {  	[dreg:$0x8] =	wrdreg s24  }
0xc9: {  	[dreg:$0x9] =	wrdreg $0xA  }
0xca: {  	_ =	task.clear_ibuf [dreg:s22], $0xAFFFF;
	_ =	strace $0x90000049  }
0xcb: {  	s29 =	simm.s32 $0xA;
	_ =	strace $0x8000004B  }
0xcc: {  	_ =	swait.ge [sflag:s29], $0x1  }
0xcd: {  	[sflag:s29] =	ssyncadd.s32 $0xFFFFFFFF  }
0xce: {  	_ =	strace $0x9000004B  }
0xcf: {  	_ =	sfence  }
0xd0: {  	s30 =	sld [smem:$0x0];
	_ =	sdelay $0x2  }
0xd1: {  	s31 =	sshll.u32 s1, $0xD;
	s1 =	sshrl.u32 s1, $0x2  }
0xd2: {  	s4 =	sand.u32 $0x4000, s31;
	s1 =	sadd.s32 s1, s30  }
0xd3: {  	s0 =	sor.u32 s4, s0;
	s1 =	sshll.u32 s1, $0x11  }
0xd4: {  	s0 =	sor.u32 s1, s0  }
0xd5: {  	s0 =	sadd.s32 $0x8F2B, s0  }
0xd6: {  	[sflag:s0] =	ssyncadd.remote.s32 $0x1  }
0xd7: {  	_ =	sfence.sel $0xFFFF  }
0xd8: {  	[dreg:$0x0] =	wrdreg $0xFFFFFFFF;
	(pc) =	sbr.abs _section_cstart, $3  }
0xd9: {  	[dreg:$0x1] =	wrdreg $0xFFFFFFFF  }
0xda: {  	_ =	task.clear_ibuf [dreg:s22], $0x2FFFF;
	_ =	strace $0x9FFFFFFF  }
0xdb: {  	(tm) =	ssettm $0x7FFFFFFF  }
tec
execute0_lowered:
.L_overlay_start_1:
0x0: {  	(tag) =	ssettag $0x1  }
0x1: {  	s7 =	rddreg [dreg:$0x0]  }
0x2: {  	s9 =	rddreg [dreg:$0x1]  }
0x3: {  	s1 =	rddreg [dreg:$0x2]  }
0x4: {  	s2 =	rddreg [dreg:$0x3]  }
0x5: {  	s3 =	rddreg [dreg:$0x4]  }
0x6: {  	s4 =	srdreg.scid;
	s0 =	stileid.u32  }
0x7: {  	s5 =	rddreg [dreg:$0x5];
	s24 =	sand.u32 $0x1, s4;
	s30 =	sshll.u32 s0, $0x1  }
0x8: {  	s23 =	rddreg [dreg:$0x6];
	s15 =	sor.u32 s24, s30  }
0x9: {  	s6 =	simm.s32 $0x0;
	s4 =	rddreg [dreg:$0x7];
	s8 =	sshll.u32 s15, $0x5  }
0xa: {  	[smem:$0x7FF] =	sst s6;
	s10 =	sor.u32 $0x400, s8  }
0xb: {  	_ =	strace $0x8000004A;
	s8 =	sadd.s32 s7, s10;
	s7 =	simm.s32 $0x3  }
0xc: {  	[tilespmem:s6], [sflag:$0x3] =	stream.linear.gather [hbm4b:s8+s6], $0x100, $0x38;
	[tilespmem:$0x8200] =	vst v63  }
0xd: {  	_ =	swait.ge [sflag:s7], $0x100  }
0xe: {  	[sflag:s7] =	ssyncset.done $0x0  }
0xf: {  	s9 =	sadd.s32 s9, s10;
	s10 =	simm.s32 $0x100;
	[sflag:s7] =	ssyncadd.s32 $0xFFFFFF00  }
0x10: {  	[tilespmem:s10], [sflag:$0x3] =	stream.linear.gather [hbm4b:s9+s6], $0x100, $0x38;
	[tilespmem:$0x8200] =	vst v63  }
0x11: {  	_ =	swait.ge [sflag:s7], $0x100  }
0x12: {  	[sflag:s7] =	ssyncset.done $0x0  }
0x13: {  	s11 =	simm.s32 $0x80;
	s12 =	simm.s32 $0x200;
	[sflag:s7] =	ssyncadd.s32 $0xFFFFFF00  }
0x14: {  	[tilespmem:s12], [sflag:$0x1] =	stream.indirect.gather [hbm4b:s1+s11], $0x80, s6, s11, $0xb8;
	[tilespmem:$0x8200] =	vst v63  }
0x15: {  	s13 =	simm.s32 $0x4200;
	s14 =	simm.s32 $0x1  }
0x16: {  	[tilespmem:s13], [sflag:$0x2] =	stream.indirect.gather [hbm4b:s1+s11], $0x80, s11, s11, $0xb8;
	[tilespmem:$0x8200] =	vst v63  }
0x17: {  	_ =	swait.ge [sflag:s14], $0x4000  }
0x18: {  	s17 =	sadd.s32 $0x83000, s23;
	s25 =	sshll.u32 s15, $0xC;
	[sflag:s14] =	ssyncset.done $0x0  }
0x19: {  	s15 =	sadd.s32 s17, s25;
	[sflag:s14] =	ssyncadd.s32 $0xFFFFC000  }
0x1a: {  	[hbm4b:s15+s6] =	stream.linear.scatter [tilespmem:s12], [sflag:$0x3], $0x4000, $0x38;
	[tilespmem:$0x8200] =	vst v63  }
0x1b: {  	_ =	swait.ge [sflag:s7], $0x4000  }
0x1c: {  	[sflag:s7] =	ssyncset.done $0x0  }
0x1d: {  	s16 =	simm.s32 $0x2;
	[sflag:s7] =	ssyncadd.s32 $0xFFFFC000  }
0x1e: {  	[tilespmem:s12], [sflag:$0x1] =	stream.indirect.gather [hbm4b:s2+s11], $0x80, s10, s11, $0xb8;
	[tilespmem:$0x8200] =	vst v63  }
0x1f: {  	_ =	swait.ge [sflag:s16], $0x4000  }
0x20: {  	s26 =	sor.u32 $0x800, s25;
	[sflag:s16] =	ssyncset.done $0x0  }
0x21: {  	s17 =	sadd.s32 s17, s26;
	[sflag:s16] =	ssyncadd.s32 $0xFFFFC000  }
0x22: {  	[hbm4b:s17+s6] =	stream.linear.scatter [tilespmem:s13], [sflag:$0x3], $0x4000, $0x38;
	[tilespmem:$0x8200] =	vst v63  }
0x23: {  	_ =	swait.ge [sflag:s7], $0x4000  }
0x24: {  	[sflag:s7] =	ssyncset.done $0x0  }
0x25: {  	s18 =	simm.s32 $0x180;
	[sflag:s7] =	ssyncadd.s32 $0xFFFFC000  }
0x26: {  	[tilespmem:s13], [sflag:$0x2] =	stream.indirect.gather [hbm4b:s2+s11], $0x80, s18, s11, $0xb8;
	[tilespmem:$0x8200] =	vst v63  }
0x27: {  	_ =	swait.ge [sflag:s14], $0x4000  }
0x28: {  	s20 =	sadd.s32 $0xA3000, s23;
	[sflag:s14] =	ssyncset.done $0x0  }
0x29: {  	s19 =	sadd.s32 s20, s25;
	[sflag:s14] =	ssyncadd.s32 $0xFFFFC000  }
0x2a: {  	[hbm4b:s19+s6] =	stream.linear.scatter [tilespmem:s12], [sflag:$0x3], $0x4000, $0x38;
	[tilespmem:$0x8200] =	vst v63  }
0x2b: {  	_ =	swait.ge [sflag:s7], $0x4000  }
0x2c: {  	[sflag:s7] =	ssyncset.done $0x0  }
0x2d: {  	[sflag:s7] =	ssyncadd.s32 $0xFFFFC000  }
0x2e: {  	[tilespmem:s12], [sflag:$0x1] =	stream.indirect.gather [hbm4b:s3+s11], $0x80, s6, s11, $0xb8;
	[tilespmem:$0x8200] =	vst v63  }
0x2f: {  	_ =	swait.ge [sflag:s16], $0x4000  }
0x30: {  	[sflag:s16] =	ssyncset.done $0x0  }
0x31: {  	s20 =	sadd.s32 s20, s26;
	[sflag:s16] =	ssyncadd.s32 $0xFFFFC000  }
0x32: {  	[hbm4b:s20+s6] =	stream.linear.scatter [tilespmem:s13], [sflag:$0x3], $0x4000, $0x38;
	[tilespmem:$0x8200] =	vst v63  }
0x33: {  	_ =	swait.ge [sflag:s7], $0x4000  }
0x34: {  	[sflag:s7] =	ssyncset.done $0x0  }
0x35: {  	[sflag:s7] =	ssyncadd.s32 $0xFFFFC000  }
0x36: {  	[tilespmem:s13], [sflag:$0x2] =	stream.indirect.gather [hbm4b:s3+s11], $0x80, s11, s11, $0xb8;
	[tilespmem:$0x8200] =	vst v63  }
0x37: {  	_ =	swait.ge [sflag:s14], $0x4000  }
0x38: {  	s22 =	sadd.s32 $0xC3000, s23;
	[sflag:s14] =	ssyncset.done $0x0  }
0x39: {  	s21 =	sadd.s32 s22, s25;
	[sflag:s14] =	ssyncadd.s32 $0xFFFFC000  }
0x3a: {  	[hbm4b:s21+s6] =	stream.linear.scatter [tilespmem:s12], [sflag:$0x3], $0x4000, $0x38;
	[tilespmem:$0x8200] =	vst v63  }
0x3b: {  	_ =	swait.ge [sflag:s7], $0x4000  }
0x3c: {  	[sflag:s7] =	ssyncset.done $0x0  }
0x3d: {  	[sflag:s7] =	ssyncadd.s32 $0xFFFFC000  }
0x3e: {  	[tilespmem:s12], [sflag:$0x1] =	stream.indirect.gather [hbm4b:s5+s11], $0x80, s10, s11, $0xb8;
	[tilespmem:$0x8200] =	vst v63  }
0x3f: {  	_ =	swait.ge [sflag:s16], $0x4000  }
0x40: {  	[sflag:s16] =	ssyncset.done $0x0  }
0x41: {  	s22 =	sadd.s32 s22, s26;
	[sflag:s16] =	ssyncadd.s32 $0xFFFFC000  }
0x42: {  	[hbm4b:s22+s6] =	stream.linear.scatter [tilespmem:s13], [sflag:$0x3], $0x4000, $0x38;
	[tilespmem:$0x8200] =	vst v63  }
0x43: {  	_ =	swait.ge [sflag:s7], $0x4000  }
0x44: {  	[sflag:s7] =	ssyncset.done $0x0  }
0x45: {  	[sflag:s7] =	ssyncadd.s32 $0xFFFFC000  }
0x46: {  	[tilespmem:s13], [sflag:$0x2] =	stream.indirect.gather [hbm4b:s5+s11], $0x80, s18, s11, $0xb8;
	[tilespmem:$0x8200] =	vst v63  }
0x47: {  	_ =	swait.ge [sflag:s14], $0x4000  }
0x48: {  	s28 =	sadd.s32 $0xE3000, s23;
	[sflag:s14] =	ssyncset.done $0x0  }
0x49: {  	s24 =	ssub.s32 $0x2, s24;
	s23 =	sadd.s32 s28, s25;
	[sflag:s14] =	ssyncadd.s32 $0xFFFFC000  }
0x4a: {  	[hbm4b:s23+s6] =	stream.linear.scatter [tilespmem:s12], [sflag:$0x3], $0x4000, $0x38;
	[tilespmem:$0x8200] =	vst v63  }
0x4b: {  	s31 =	sshrl.u32 s24, $0x1;
	_ =	swait.ge [sflag:s7], $0x4000  }
0x4c: {  	s25 =	ssub.s32 s24, s31;
	[sflag:s7] =	ssyncset.done $0x0  }
0x4d: {  	s25 =	smax.u32 s25, $0x1;
	[sflag:s7] =	ssyncadd.s32 $0xFFFFC000  }
0x4e: {  	p0 =	sne.s32 s25, $0x1;
	_ =	swait.ge [sflag:s16], $0x4000  }
.Ltmp0:
0x4f: {  	[sflag:s16] =	ssyncset.done $0x0;
	(pc) =	sbr.rel @!p0 .LBB2_2-.Ltmp0, $4  }
0x50: {  	s24 =	sadd.s32 s28, s26;
	[sflag:s16] =	ssyncadd.s32 $0xFFFFC000  }
0x51: {  	[hbm4b:s24+s6] =	stream.linear.scatter [tilespmem:s13], [sflag:$0x3], $0x4000, $0x38;
	[tilespmem:$0x8200] =	vst v63  }
0x52: {  	_ =	swait.ge [sflag:s7], $0x4000  }
0x53: {  	s25 =	sadd.s32 $0xFFFFFFFF, s25;
	[sflag:s7] =	ssyncset.done $0x0  }
.LBB2_1:
0x54: {  	p0 =	sne.s32 s25, $0x1;
	s25 =	sadd.s32 $0xFFFFFFFF, s25;
	[sflag:s7] =	ssyncadd.s32 $0xFFFFC000  }
0x55: {  	[tilespmem:s6], [sflag:$0x3] =	stream.linear.gather [hbm4b:s8+s6], $0x100, $0x38;
	[tilespmem:$0x8200] =	vst v63  }
0x56: {  	_ =	swait.ge [sflag:s7], $0x100  }
0x57: {  	[sflag:s7] =	ssyncset.done $0x0  }
0x58: {  	[sflag:s7] =	ssyncadd.s32 $0xFFFFFF00  }
0x59: {  	[tilespmem:s10], [sflag:$0x3] =	stream.linear.gather [hbm4b:s9+s6], $0x100, $0x38;
	[tilespmem:$0x8200] =	vst v63  }
0x5a: {  	_ =	swait.ge [sflag:s7], $0x100  }
0x5b: {  	[sflag:s7] =	ssyncset.done $0x0  }
0x5c: {  	[sflag:s7] =	ssyncadd.s32 $0xFFFFFF00  }
0x5d: {  	[tilespmem:s12], [sflag:$0x1] =	stream.indirect.gather [hbm4b:s1+s11], $0x80, s6, s11, $0xb8;
	[tilespmem:$0x8200] =	vst v63  }
0x5e: {  	_ = 	snop  }
0x5f: {  	[tilespmem:s13], [sflag:$0x2] =	stream.indirect.gather [hbm4b:s1+s11], $0x80, s11, s11, $0xb8;
	[tilespmem:$0x8200] =	vst v63  }
0x60: {  	_ =	swait.ge [sflag:s14], $0x4000  }
0x61: {  	[sflag:s14] =	ssyncset.done $0x0  }
0x62: {  	[sflag:s14] =	ssyncadd.s32 $0xFFFFC000  }
0x63: {  	[hbm4b:s15+s6] =	stream.linear.scatter [tilespmem:s12], [sflag:$0x3], $0x4000, $0x38;
	[tilespmem:$0x8200] =	vst v63  }
0x64: {  	_ =	swait.ge [sflag:s7], $0x4000  }
0x65: {  	[sflag:s7] =	ssyncset.done $0x0  }
0x66: {  	[sflag:s7] =	ssyncadd.s32 $0xFFFFC000  }
0x67: {  	[tilespmem:s12], [sflag:$0x1] =	stream.indirect.gather [hbm4b:s2+s11], $0x80, s10, s11, $0xb8;
	[tilespmem:$0x8200] =	vst v63  }
0x68: {  	_ =	swait.ge [sflag:s16], $0x4000  }
0x69: {  	[sflag:s16] =	ssyncset.done $0x0  }
0x6a: {  	[sflag:s16] =	ssyncadd.s32 $0xFFFFC000  }
0x6b: {  	[hbm4b:s17+s6] =	stream.linear.scatter [tilespmem:s13], [sflag:$0x3], $0x4000, $0x38;
	[tilespmem:$0x8200] =	vst v63  }
0x6c: {  	_ =	swait.ge [sflag:s7], $0x4000  }
0x6d: {  	[sflag:s7] =	ssyncset.done $0x0  }
0x6e: {  	[sflag:s7] =	ssyncadd.s32 $0xFFFFC000  }
0x6f: {  	[tilespmem:s13], [sflag:$0x2] =	stream.indirect.gather [hbm4b:s2+s11], $0x80, s18, s11, $0xb8;
	[tilespmem:$0x8200] =	vst v63  }
0x70: {  	_ =	swait.ge [sflag:s14], $0x4000  }
0x71: {  	[sflag:s14] =	ssyncset.done $0x0  }
0x72: {  	[sflag:s14] =	ssyncadd.s32 $0xFFFFC000  }
0x73: {  	[hbm4b:s19+s6] =	stream.linear.scatter [tilespmem:s12], [sflag:$0x3], $0x4000, $0x38;
	[tilespmem:$0x8200] =	vst v63  }
0x74: {  	_ =	swait.ge [sflag:s7], $0x4000  }
0x75: {  	[sflag:s7] =	ssyncset.done $0x0  }
0x76: {  	[sflag:s7] =	ssyncadd.s32 $0xFFFFC000  }
0x77: {  	[tilespmem:s12], [sflag:$0x1] =	stream.indirect.gather [hbm4b:s3+s11], $0x80, s6, s11, $0xb8;
	[tilespmem:$0x8200] =	vst v63  }
0x78: {  	_ =	swait.ge [sflag:s16], $0x4000  }
0x79: {  	[sflag:s16] =	ssyncset.done $0x0  }
0x7a: {  	[sflag:s16] =	ssyncadd.s32 $0xFFFFC000  }
0x7b: {  	[hbm4b:s20+s6] =	stream.linear.scatter [tilespmem:s13], [sflag:$0x3], $0x4000, $0x38;
	[tilespmem:$0x8200] =	vst v63  }
0x7c: {  	_ =	swait.ge [sflag:s7], $0x4000  }
0x7d: {  	[sflag:s7] =	ssyncset.done $0x0  }
0x7e: {  	[sflag:s7] =	ssyncadd.s32 $0xFFFFC000  }
0x7f: {  	[tilespmem:s13], [sflag:$0x2] =	stream.indirect.gather [hbm4b:s3+s11], $0x80, s11, s11, $0xb8;
	[tilespmem:$0x8200] =	vst v63  }
0x80: {  	_ =	swait.ge [sflag:s14], $0x4000  }
0x81: {  	[sflag:s14] =	ssyncset.done $0x0  }
0x82: {  	[sflag:s14] =	ssyncadd.s32 $0xFFFFC000  }
0x83: {  	[hbm4b:s21+s6] =	stream.linear.scatter [tilespmem:s12], [sflag:$0x3], $0x4000, $0x38;
	[tilespmem:$0x8200] =	vst v63  }
0x84: {  	_ =	swait.ge [sflag:s7], $0x4000  }
0x85: {  	[sflag:s7] =	ssyncset.done $0x0  }
0x86: {  	[sflag:s7] =	ssyncadd.s32 $0xFFFFC000  }
0x87: {  	[tilespmem:s12], [sflag:$0x1] =	stream.indirect.gather [hbm4b:s5+s11], $0x80, s10, s11, $0xb8;
	[tilespmem:$0x8200] =	vst v63  }
0x88: {  	_ =	swait.ge [sflag:s16], $0x4000  }
0x89: {  	[sflag:s16] =	ssyncset.done $0x0  }
0x8a: {  	[sflag:s16] =	ssyncadd.s32 $0xFFFFC000  }
0x8b: {  	[hbm4b:s22+s6] =	stream.linear.scatter [tilespmem:s13], [sflag:$0x3], $0x4000, $0x38;
	[tilespmem:$0x8200] =	vst v63  }
0x8c: {  	_ =	swait.ge [sflag:s7], $0x4000  }
0x8d: {  	[sflag:s7] =	ssyncset.done $0x0  }
0x8e: {  	[sflag:s7] =	ssyncadd.s32 $0xFFFFC000  }
0x8f: {  	[tilespmem:s13], [sflag:$0x2] =	stream.indirect.gather [hbm4b:s5+s11], $0x80, s18, s11, $0xb8;
	[tilespmem:$0x8200] =	vst v63  }
0x90: {  	_ =	swait.ge [sflag:s14], $0x4000  }
0x91: {  	[sflag:s14] =	ssyncset.done $0x0  }
0x92: {  	[sflag:s14] =	ssyncadd.s32 $0xFFFFC000  }
0x93: {  	[hbm4b:s23+s6] =	stream.linear.scatter [tilespmem:s12], [sflag:$0x3], $0x4000, $0x38;
	[tilespmem:$0x8200] =	vst v63  }
0x94: {  	_ =	swait.ge [sflag:s7], $0x4000  }
0x95: {  	[sflag:s7] =	ssyncset.done $0x0  }
0x96: {  	[sflag:s7] =	ssyncadd.s32 $0xFFFFC000  }
0x97: {  	_ =	swait.ge [sflag:s16], $0x4000  }
.Ltmp1:
0x98: {  	[sflag:s16] =	ssyncset.done $0x0;
	(pc) =	sbr.rel @p0 .LBB2_1-.Ltmp1, $4  }
0x99: {  	[sflag:s16] =	ssyncadd.s32 $0xFFFFC000  }
0x9a: {  	[hbm4b:s24+s6] =	stream.linear.scatter [tilespmem:s13], [sflag:$0x3], $0x4000, $0x38;
	[tilespmem:$0x8200] =	vst v63  }
0x9b: {  	_ =	swait.ge [sflag:s7], $0x4000  }
0x9c: {  	[sflag:s7] =	ssyncset.done $0x0  }
.LBB2_2:
0x9d: {  	[sflag:s7] =	ssyncadd.s32 $0xFFFFC000  }
0x9e: {  	_ =	sfence.sel $0x180000  }
0x9f: {  	[bflag:$0x0] =	sbarrier.arrive $0xFFFF  }
0xa0: {  	p0 =	sne.s32 s0, $0x0;
	_ =	strace $0x9000004A  }
0xa1: {  	s0 =	sadd.s32 @!p0 $0x100000, s4;
	[bflag:$0x2] =	sbarrier.arrive $0xFFFF  }
0xa2: {  	[sflag:s0] =	ssyncadd.tile.s32 @!p0 $0x1;
	_ =	shalt  }
.Lfunc_end2:
_tile_overlayer_lowered:
.L_overlay_start_2:
0xa3: {  	(tag) =	ssettag $0x2  }
0xa4: {  	s0 =	rddreg [dreg:$0x0];
	s2 =	stileid.u32  }
0xa5: {  	s1 =	rddreg [dreg:$0x1];
	p0 =	sne.s32 s2, $0x0  }
0xa6: {  	s3 =	rddreg [dreg:$0x2];
	[bflag:$0x3] =	sbarrier.arrive $0xFFFF;
	s2 =	simm.s32 @!p0 $0x1C03  }
0xa7: {  	[timem:s3], [sflag:s2] =	dma.local @!p0 [hbm:s0], s1  }
0xa8: {  	s0 =	simm.s32 @!p0 $0x3  }
0xa9: {  	_ =	swait.ge @!p0 [sflag:s0], s1  }
0xaa: {  	s1 =	ssub.s32 @!p0 $0x0, s1;
	[sflag:s0] =	ssyncset.done @!p0 $0x0  }
0xab: {  	[sflag:s0] =	ssyncadd.s32 @!p0 s1  }
0xac: {  	[bflag:$0x3] =	sbarrier.arrive $0xFFFF  }
0xad: {  	_ =	shalt  }

</sc_bundles>
